<compile_context>
chip_gen: v7x
topology: tpu7x:2x2x1
jax: 0.10.2.dev20260603
libtpu: 0.0.44.dev20260713+nightly
codegen_flags: <defaults>
</compile_context>

<pallas_src>
import functools

import jax
import jax.numpy as jnp
from jax import lax
from jax.experimental import pallas as pl
from jax.experimental.pallas import tpu as pltpu
from jax.experimental.pallas import tpu_sc as plsc

B, S, D = 1, 2048, 1024
H, DH = 16, 64
QC, KC = 512, 256
E, K, F = 64, 2, 512
CAP = 128
EPS = 1e-6
RES_MULT = 0.22
SCALE = 0.125
T = B * S

RB = 256
QB = 256
KB = 256
NBUF = E * CAP + CAP
DUMMY = E * CAP
CB = 256

NW = 32
CHUNK = T // NW


def _mm_nt(a, b):
    return lax.dot_general(a.astype(jnp.bfloat16), b.astype(jnp.bfloat16),
                           (((1,), (1,)), ((), ())),
                           preferred_element_type=jnp.float32)


def _mm_nn(a, b):
    return lax.dot_general(a.astype(jnp.bfloat16), b.astype(jnp.bfloat16),
                           (((1,), (0,)), ((), ())),
                           preferred_element_type=jnp.float32)


def _preattn_body(x_ref, ln1_ref, wd_ref, wq_ref, wk_ref, wv_ref,
                  q_ref, k_ref, v_ref):
    x = x_ref[...]
    h = x * lax.rsqrt(jnp.mean(x * x, axis=-1, keepdims=True) + EPS) * ln1_ref[...]
    c = _mm_nt(h, wd_ref[...])
    q_ref[...] = _mm_nt(c[:, :QC], wq_ref[...]).astype(jnp.bfloat16)
    k_ref[...] = _mm_nt(c[:, QC:QC + KC], wk_ref[...]).astype(jnp.bfloat16)
    v_ref[...] = _mm_nt(c[:, QC + KC:], wv_ref[...]).astype(jnp.bfloat16)


def _preattn(x, ln1, w_down, w_q_up, w_k_up, w_v_up):
    out = [jax.ShapeDtypeStruct((T, D), jnp.bfloat16)] * 3
    return pl.pallas_call(
        _preattn_body,
        grid=(T // RB,),
        in_specs=[
            pl.BlockSpec((RB, D), lambda i: (i, 0)),
            pl.BlockSpec((1, D), lambda i: (0, 0)),
            pl.BlockSpec((QC + 2 * KC, D), lambda i: (0, 0)),
            pl.BlockSpec((D, QC), lambda i: (0, 0)),
            pl.BlockSpec((D, KC), lambda i: (0, 0)),
            pl.BlockSpec((D, KC), lambda i: (0, 0)),
        ],
        out_specs=[pl.BlockSpec((RB, D), lambda i: (i, 0))] * 3,
        out_shape=out,
    )(x, ln1, w_down, w_q_up, w_k_up, w_v_up)


TQ = 512


def _mm_nt16(a, b):
    return _mm_nt(a, b).astype(jnp.bfloat16)


def _attn_chunk_body(kw, q_ref, k_ref, v_ref, o_ref):
    li = lax.broadcasted_iota(jnp.int32, (TQ, TQ), 0)
    lj = lax.broadcasted_iota(jnp.int32, (TQ, TQ), 1)
    dmask = lj <= li
    outs = []
    for hh in range(2):
        sl = slice(hh * DH, (hh + 1) * DH)
        q = q_ref[:, sl]
        sd = _mm_nt16(q, k_ref[kw - TQ:kw, sl]) * SCALE
        sd = jnp.where(dmask, sd, jnp.bfloat16(-1e9))
        md = jnp.max(sd, axis=-1, keepdims=True)
        if kw > TQ:
            s0 = _mm_nt16(q, k_ref[:kw - TQ, sl]) * SCALE
            m = jnp.maximum(md, jnp.max(s0, axis=-1, keepdims=True))
            p0 = jnp.exp(s0 - m)
            pd = jnp.exp(sd - m)
            l = (jnp.sum(p0, axis=-1, keepdims=True, dtype=jnp.float32)
                 + jnp.sum(pd, axis=-1, keepdims=True, dtype=jnp.float32))
            o = (_mm_nn(p0, v_ref[:kw - TQ, sl])
                 + _mm_nn(pd, v_ref[kw - TQ:kw, sl]))
        else:
            pd = jnp.exp(sd - md)
            l = jnp.sum(pd, axis=-1, keepdims=True, dtype=jnp.float32)
            o = _mm_nn(pd, v_ref[:kw, sl])
        outs.append(o * (1.0 / l))
    o_ref[...] = jnp.concatenate(outs, axis=1).astype(jnp.bfloat16)


def _attention(q, k, v):
    parts = []
    for i in range(T // TQ):
        kw = (i + 1) * TQ
        part = pl.pallas_call(
            functools.partial(_attn_chunk_body, kw),
            grid=(H // 2,),
            in_specs=[
                pl.BlockSpec((TQ, 2 * DH), lambda h, _i=i: (_i, h)),
                pl.BlockSpec((kw, 2 * DH), lambda h: (0, h)),
                pl.BlockSpec((kw, 2 * DH), lambda h: (0, h)),
            ],
            out_specs=pl.BlockSpec((TQ, 2 * DH), lambda h: (0, h)),
            out_shape=jax.ShapeDtypeStruct((TQ, D), jnp.bfloat16),
        )(q, k, v)
        parts.append(part)
    return jnp.concatenate(parts, axis=0)


def _outproj_body(attn_ref, x_ref, wo_ref, ln2_ref, rw_ref,
                  hid_ref, h2_ref, lg_ref):
    ao = _mm_nt(attn_ref[...], wo_ref[...])
    hid = x_ref[...] + ao * RES_MULT
    hid_ref[...] = hid
    h2 = hid * lax.rsqrt(jnp.mean(hid * hid, axis=-1, keepdims=True) + EPS) * ln2_ref[...]
    h2_ref[...] = h2
    lg_ref[...] = lax.dot_general(h2, rw_ref[...], (((1,), (1,)), ((), ())),
                                  preferred_element_type=jnp.float32)


def _outproj(attn, x, w_o, ln2, router_w):
    out = [jax.ShapeDtypeStruct((T, D), jnp.float32),
           jax.ShapeDtypeStruct((T, D), jnp.float32),
           jax.ShapeDtypeStruct((T, E), jnp.float32)]
    return pl.pallas_call(
        _outproj_body,
        grid=(T // RB,),
        in_specs=[
            pl.BlockSpec((RB, D), lambda i: (i, 0)),
            pl.BlockSpec((RB, D), lambda i: (i, 0)),
            pl.BlockSpec((D, D), lambda i: (0, 0)),
            pl.BlockSpec((1, D), lambda i: (0, 0)),
            pl.BlockSpec((E, D), lambda i: (0, 0)),
        ],
        out_specs=[
            pl.BlockSpec((RB, D), lambda i: (i, 0)),
            pl.BlockSpec((RB, D), lambda i: (i, 0)),
            pl.BlockSpec((RB, E), lambda i: (i, 0)),
        ],
        out_shape=out,
    )(attn, x, w_o, ln2, router_w)


def _route_body(lg_ref, slots_ref, cw_ref, oh_ref, cs_ref):
    lg = lg_ref[...]
    ei = lax.broadcasted_iota(jnp.int32, (T, E), 1)
    m1 = jnp.max(lg, axis=1, keepdims=True)
    a1 = jnp.min(jnp.where(lg == m1, ei, E), axis=1, keepdims=True)
    o1 = ei == a1
    lg2 = jnp.where(o1, -jnp.inf, lg)
    m2 = jnp.max(lg2, axis=1, keepdims=True)
    a2 = jnp.min(jnp.where(lg2 == m2, ei, E), axis=1, keepdims=True)
    o2 = ei == a2
    e2 = jnp.exp(m2 - m1)
    w1v = 1.0 / (1.0 + e2)
    w2v = e2 * w1v

    oh_ref[...] = o1.astype(jnp.float32) + o2.astype(jnp.float32)
    li = lax.broadcasted_iota(jnp.int32, (CB, CB), 0)
    lj = lax.broadcasted_iota(jnp.int32, (CB, CB), 1)
    ltri = (lj < li).astype(jnp.float32)

    def step(i, carry):
        ohc = oh_ref[pl.ds(i * CB, CB), :]
        local = lax.dot_general(ltri, ohc, (((1,), (0,)), ((), ())),
                                preferred_element_type=jnp.float32)
        cs_ref[pl.ds(i * CB, CB), :] = local + carry
        return carry + jnp.sum(ohc, axis=0, keepdims=True)

    lax.fori_loop(0, T // CB, step, jnp.zeros((1, E), jnp.float32))
    csum = cs_ref[...]

    pos1 = jnp.sum(jnp.where(o1, csum, 0.0), axis=1).astype(jnp.int32)
    pos2 = jnp.sum(jnp.where(o2, csum, 0.0), axis=1).astype(jnp.int32)
    a1s = a1[:, 0]
    a2s = a2[:, 0]
    val1 = pos1 < CAP
    val2 = pos2 < CAP
    gat1 = a1s * CAP + jnp.minimum(pos1, CAP - 1)
    gat2 = a2s * CAP + jnp.minimum(pos2, CAP - 1)
    sca1 = jnp.where(val1, gat1, DUMMY)
    sca2 = jnp.where(val2, gat2, DUMMY)
    slots_ref[...] = jnp.stack([sca1, sca2, gat1, gat2], axis=0)
    cw_ref[...] = jnp.stack([jnp.where(val1, w1v[:, 0], 0.0),
                             jnp.where(val2, w2v[:, 0], 0.0)], axis=0)


def _route(logits):
    return pl.pallas_call(
        _route_body,
        out_shape=[jax.ShapeDtypeStruct((4, T), jnp.int32),
                   jax.ShapeDtypeStruct((2, T), jnp.float32)],
        scratch_shapes=[pltpu.VMEM((T, E), jnp.float32),
                        pltpu.VMEM((T, E), jnp.float32)],
    )(logits)


def _dispatch_sc(h2, slots):
    mesh = plsc.VectorSubcoreMesh(core_axis_name="c", subcore_axis_name="s")

    @functools.partial(
        pl.kernel,
        out_type=jax.ShapeDtypeStruct((NBUF, D), jnp.float32),
        mesh=mesh,
        scratch_types=[
            pltpu.VMEM((CHUNK,), jnp.int32),
            pltpu.VMEM((CHUNK, D), jnp.float32),
            pltpu.SemaphoreType.DMA,
        ],
    )
    def run(h2_hbm, slots_hbm, buf_hbm, idx_v, rows_v, sem):
        wid = lax.axis_index("s") * 2 + lax.axis_index("c")
        base = wid * CHUNK
        pltpu.sync_copy(h2_hbm.at[pl.ds(base, CHUNK)], rows_v)
        pltpu.sync_copy(slots_hbm.at[0, pl.ds(base, CHUNK)], idx_v)
        pltpu.async_copy(rows_v, buf_hbm.at[idx_v], sem).wait()
        pltpu.sync_copy(slots_hbm.at[1, pl.ds(base, CHUNK)], idx_v)
        pltpu.async_copy(rows_v, buf_hbm.at[idx_v], sem).wait()

    return run(h2, slots)


def _ffn_body(buf_ref, w1_ref, w3_ref, w2_ref, out_ref):
    xb = buf_ref[...]
    h1 = _mm_nt(xb, w1_ref[0])
    h3 = _mm_nt(xb, w3_ref[0])
    act = h1 * jax.nn.sigmoid(h1) * h3
    out_ref[...] = _mm_nt(act, w2_ref[0])


def _ffn(buf, w1, w3, w2):
    return pl.pallas_call(
        _ffn_body,
        grid=(E,),
        in_specs=[
            pl.BlockSpec((CAP, D), lambda e: (e, 0)),
            pl.BlockSpec((1, F, D), lambda e: (e, 0, 0)),
            pl.BlockSpec((1, F, D), lambda e: (e, 0, 0)),
            pl.BlockSpec((1, D, F), lambda e: (e, 0, 0)),
        ],
        out_specs=pl.BlockSpec((CAP, D), lambda e: (e, 0)),
        out_shape=jax.ShapeDtypeStruct((E * CAP, D), jnp.float32),
    )(buf, w1, w3, w2)


def _combine_sc(eout, slots):
    mesh = plsc.VectorSubcoreMesh(core_axis_name="c", subcore_axis_name="s")

    @functools.partial(
        pl.kernel,
        out_type=[jax.ShapeDtypeStruct((T, D), jnp.float32),
                  jax.ShapeDtypeStruct((T, D), jnp.float32)],
        mesh=mesh,
        scratch_types=[
            pltpu.VMEM((CHUNK,), jnp.int32),
            pltpu.VMEM((CHUNK, D), jnp.float32),
            pltpu.SemaphoreType.DMA,
        ],
    )
    def run(eout_hbm, slots_hbm, g1_hbm, g2_hbm, idx_v, rows_v, sem):
        wid = lax.axis_index("s") * 2 + lax.axis_index("c")
        base = wid * CHUNK
        pltpu.sync_copy(slots_hbm.at[2, pl.ds(base, CHUNK)], idx_v)
        pltpu.async_copy(eout_hbm.at[idx_v], rows_v, sem).wait()
        pltpu.sync_copy(rows_v, g1_hbm.at[pl.ds(base, CHUNK)])
        pltpu.sync_copy(slots_hbm.at[3, pl.ds(base, CHUNK)], idx_v)
        pltpu.async_copy(eout_hbm.at[idx_v], rows_v, sem).wait()
        pltpu.sync_copy(rows_v, g2_hbm.at[pl.ds(base, CHUNK)])

    return run(eout, slots)


def _final_body(hid_ref, g1_ref, g2_ref, cw1_ref, cw2_ref, o_ref):
    cw1 = cw1_ref[...]
    cw2 = cw2_ref[...]
    y = (jnp.where(cw1 > 0, cw1 * g1_ref[...], 0.0)
         + jnp.where(cw2 > 0, cw2 * g2_ref[...], 0.0))
    o_ref[...] = hid_ref[...] + y * RES_MULT


def _final(hidden, g1, g2, cw1, cw2):
    return pl.pallas_call(
        _final_body,
        grid=(T // RB,),
        in_specs=[
            pl.BlockSpec((RB, D), lambda i: (i, 0)),
            pl.BlockSpec((RB, D), lambda i: (i, 0)),
            pl.BlockSpec((RB, D), lambda i: (i, 0)),
            pl.BlockSpec((RB, 1), lambda i: (i, 0)),
            pl.BlockSpec((RB, 1), lambda i: (i, 0)),
        ],
        out_specs=pl.BlockSpec((RB, D), lambda i: (i, 0)),
        out_shape=jax.ShapeDtypeStruct((T, D), jnp.float32),
    )(hidden, g1, g2, cw1, cw2)


def kernel(positions, hidden_states, w_down, w_q_up, w_k_up, w_v_up, w_o,
           ln1, ln2, router_w, w1, w3, w2):
    x = hidden_states.reshape(T, D)
    q, k, v = _preattn(x, ln1.reshape(1, D), w_down, w_q_up, w_k_up, w_v_up)
    attn = _attention(q, k, v)
    hidden, h2, logits = _outproj(attn, x, w_o, ln2.reshape(1, D), router_w)
    slots, cw = _route(logits)
    buf = _dispatch_sc(h2, slots)
    eout = _ffn(buf, w1, w3, w2)
    g1, g2 = _combine_sc(eout, slots)
    out = _final(hidden, g1, g2, cw[0][:, None], cw[1][:, None])
    return out.reshape(B, S, D)

# --- scband reference (transcript-rebuilt; emitter-appended) ---
"""Pipeline reference for scband-granite-moe-hybrid-model-91147795956119 (READ-ONLY COPY).

The authoritative reference and input builder live on the scoring server;
editing this copy changes nothing except your own understanding.
"""

import jax, jax.numpy as jnp
import numpy as np

B, S, D = 1, 2048, 1024
H, DH = 16, 64
QC, KC = 512, 256
E, K, F = 64, 2, 512
CAP = 128
EPS = 1e-6
RES_MULT = 0.22
SCALE = 0.125


def rmsnorm(x, w):
    return x * jax.lax.rsqrt(jnp.mean(x * x, axis=-1, keepdims=True) + EPS) * w


def setup_inputs(seed: int = 0) -> dict:
    key = jax.random.key(seed)
    ks = jax.random.split(key, 12)
    inp = {}
    inp['positions'] = jnp.arange(B * S).reshape(B, S)
    inp['hidden_states'] = jax.random.normal(ks[0], (B, S, D), dtype=jnp.float32)
    sc = 0.02
    inp['w_down'] = jax.random.normal(ks[1], (QC + 2 * KC, D), dtype=jnp.float32) * sc
    inp['w_q_up'] = jax.random.normal(ks[2], (D, QC), dtype=jnp.float32) * sc
    inp['w_k_up'] = jax.random.normal(ks[3], (D, KC), dtype=jnp.float32) * sc
    inp['w_v_up'] = jax.random.normal(ks[4], (D, KC), dtype=jnp.float32) * sc
    inp['w_o'] = jax.random.normal(ks[5], (D, D), dtype=jnp.float32) * sc
    inp['ln1'] = jnp.ones((D,), dtype=jnp.float32)
    inp['ln2'] = jnp.ones((D,), dtype=jnp.float32)
    inp['router_w'] = jax.random.normal(ks[6], (E, D), dtype=jnp.float32) * sc
    inp['w1'] = jax.random.normal(ks[7], (E, F, D), dtype=jnp.float32) * sc
    inp['w3'] = jax.random.normal(ks[8], (E, F, D), dtype=jnp.float32) * sc
    inp['w2'] = jax.random.normal(ks[9], (E, D, F), dtype=jnp.float32) * sc
    return inp


def reference(positions, hidden_states, w_down, w_q_up, w_k_up, w_v_up, w_o, ln1, ln2, router_w, w1, w3, w2):
    # --- GraniteMoeHybridDecoderLayer forward ---
    residual = hidden_states
    h = rmsnorm(hidden_states, ln1)
    # MLA-style attention: compress then up-project
    c = h @ w_down.T
    qc, kc, vc = jnp.split(c, [QC, QC + KC], axis=-1)
    q = (qc @ w_q_up.T).reshape(B, S, H, DH).transpose(0, 2, 1, 3)
    k = (kc @ w_k_up.T).reshape(B, S, H, DH).transpose(0, 2, 1, 3)
    v = (vc @ w_v_up.T).reshape(B, S, H, DH).transpose(0, 2, 1, 3)
    scores = jnp.einsum('bhqd,bhkd->bhqk', q, k) * SCALE
    mask = jnp.tril(jnp.ones((S, S), dtype=bool))
    scores = jnp.where(mask, scores, jnp.float32(-1e9))
    probs = jax.nn.softmax(scores, axis=-1)
    attn = jnp.einsum('bhqk,bhkd->bhqd', probs, v).transpose(0, 2, 1, 3).reshape(B, S, D)
    attn_out = attn @ w_o.T
    hidden = residual + attn_out * RES_MULT
    residual2 = hidden
    h2 = rmsnorm(hidden, ln2)
    # --- block_sparse_moe: top-k routing with capacity dispatch ---
    x = h2.reshape(-1, D)
    T = B * S
    logits = x @ router_w.T
    top_vals, top_idx = jax.lax.top_k(logits, K)
    weights = jax.nn.softmax(top_vals, axis=-1)
    flat_e = top_idx.reshape(-1)
    flat_w = weights.reshape(-1)
    flat_t = jnp.repeat(jnp.arange(T), K)
    oh = jax.nn.one_hot(flat_e, E, dtype=jnp.int32)
    pos = jnp.take_along_axis(jnp.cumsum(oh, axis=0) - 1, flat_e[:, None], axis=1)[:, 0]
    valid = (pos < CAP).astype(jnp.float32)
    slot = flat_e * CAP + jnp.clip(pos, 0, CAP - 1)
    buf = jnp.zeros((E * CAP, D), dtype=jnp.float32).at[slot].add(x[flat_t] * valid[:, None])
    ein = buf.reshape(E, CAP, D)
    h1 = jnp.einsum('ecd,efd->ecf', ein, w1)
    h3 = jnp.einsum('ecd,efd->ecf', ein, w3)
    act = jax.nn.silu(h1) * h3
    eout = jnp.einsum('ecf,edf->ecd', act, w2).reshape(E * CAP, D)
    y = jnp.zeros((T, D), dtype=jnp.float32).at[flat_t].add(eout[slot] * (flat_w * valid)[:, None])
    hidden = residual2 + y.reshape(B, S, D) * RES_MULT
    return hidden

if __name__ == "__main__":
    import jax
    _d = setup_inputs()
    print(jax.jit(kernel)(*tuple(_d.values())))

</pallas_src>

<mosaic_0001>
#map = affine_map<(d0, d1) -> (0, 0)>
module attributes {stable_mosaic.version = 14 : i64} {
  func.func @run(%arg0: i32, %arg1: i32, %arg2: memref<8192x1024xf32, #tpu.memory_space<hbm>>, %arg3: memref<4x2048xi32, #tpu.memory_space<hbm>>, %arg4: memref<2048x1024xf32, #tpu.memory_space<hbm>>, %arg5: memref<2048x1024xf32, #tpu.memory_space<hbm>>, %arg6: memref<64xi32, #tpu.memory_space<vmem>>, %arg7: memref<64x1024xf32, #tpu.memory_space<vmem>>, %arg8: memref<!tpu.dma_semaphore, #tpu.memory_space<semaphore_mem>>) attributes {dimension_semantics = [#tpu.dimension_semantics<core_parallel>, #tpu.dimension_semantics<subcore_parallel>], iteration_bounds = array<i64: 2, 16>, scalar_prefetch = 0 : i64, scratch_operands = 3 : i64, tpu.core_type = #tpu.core_type<sc_vector_subcore>, window_params = [{transform_indices = #map}, {transform_indices = #map}, {transform_indices = #map}, {transform_indices = #map}]} {
    %mul3A = arith.constant 2 : i32
    %mul3A_0 = arith.muli %arg1, %mul3A : i32
    %add3A = arith.addi %mul3A_0, %arg0 : i32
    %mul3A_1 = arith.constant 64 : i32
    %mul3A_2 = arith.muli %add3A, %mul3A_1 : i32
    %run_scoped3A = arith.constant 2 : i32
    "tpu.region"() ({
      %run_scoped3A_14 = tpu.sem_alloc : memref<!tpu.dma_semaphore, #tpu.memory_space<semaphore_mem>>
      %dma_start3A_15 = tpu.memref_slice %arg3[%run_scoped3A, %mul3A_2] : memref<4x2048xi32, #tpu.memory_space<hbm>> -> memref<1x64xi32, #tpu.memory_space<hbm>>
      %dma_start3A_16 = tpu.memref_squeeze %dma_start3A_15 : memref<1x64xi32, #tpu.memory_space<hbm>> -> memref<64xi32, #tpu.memory_space<hbm>>
      %dma_start3A_17 = tpu.memref_slice %arg3[%run_scoped3A, %mul3A_2] : memref<4x2048xi32, #tpu.memory_space<hbm>> -> memref<1x64xi32, #tpu.memory_space<hbm>>
      %dma_start3A_18 = tpu.memref_squeeze %dma_start3A_17 : memref<1x64xi32, #tpu.memory_space<hbm>> -> memref<64xi32, #tpu.memory_space<hbm>>
      tpu.enqueue_dma source(%dma_start3A_18 : memref<64xi32, #tpu.memory_space<hbm>>) target(%arg6 : memref<64xi32, #tpu.memory_space<vmem>>) target_semaphore(%run_scoped3A_14 : memref<!tpu.dma_semaphore, #tpu.memory_space<semaphore_mem>>)
      %dma_wait3A_19 = tpu.memref_slice %arg3[%run_scoped3A, %mul3A_2] : memref<4x2048xi32, #tpu.memory_space<hbm>> -> memref<1x64xi32, #tpu.memory_space<hbm>>
      %dma_wait3A_20 = tpu.memref_squeeze %dma_wait3A_19 : memref<1x64xi32, #tpu.memory_space<hbm>> -> memref<64xi32, #tpu.memory_space<hbm>>
      %dma_wait3A_21 = tpu.memref_slice %arg3[%run_scoped3A, %mul3A_2] : memref<4x2048xi32, #tpu.memory_space<hbm>> -> memref<1x64xi32, #tpu.memory_space<hbm>>
      %dma_wait3A_22 = tpu.memref_squeeze %dma_wait3A_21 : memref<1x64xi32, #tpu.memory_space<hbm>> -> memref<64xi32, #tpu.memory_space<hbm>>
      tpu.wait_dma2 semaphore(%run_scoped3A_14 : memref<!tpu.dma_semaphore, #tpu.memory_space<semaphore_mem>>) src(%dma_wait3A_22 : memref<64xi32, #tpu.memory_space<hbm>>) dst(%arg6 : memref<64xi32, #tpu.memory_space<vmem>>)
      tpu.yield
    }) : () -> ()
    %dma_start3A = arith.constant 0 : i32
    %dma_start3A_3 = arith.constant 0 : i32
    %dma_start3A_4 = tpu.memref_slice %arg2[%dma_start3A, %dma_start3A_3] : memref<8192x1024xf32, #tpu.memory_space<hbm>> -> memref<8192x1024xf32, #tpu.memory_space<hbm>>
    tpu.enqueue_indirect_dma source(%dma_start3A_4 : memref<8192x1024xf32, #tpu.memory_space<hbm>>) target(%arg7 : memref<64x1024xf32, #tpu.memory_space<vmem>>) offsets(%arg6 : memref<64xi32, #tpu.memory_space<vmem>>) semaphore(%arg8 : memref<!tpu.dma_semaphore, #tpu.memory_space<semaphore_mem>>)
    %dma_wait3A = arith.constant 0 : i32
    %dma_wait3A_5 = arith.constant 0 : i32
    %dma_wait3A_6 = tpu.memref_slice %arg2[%dma_wait3A, %dma_wait3A_5] : memref<8192x1024xf32, #tpu.memory_space<hbm>> -> memref<8192x1024xf32, #tpu.memory_space<hbm>>
    tpu.wait_indirect_dma semaphore(%arg8 : memref<!tpu.dma_semaphore, #tpu.memory_space<semaphore_mem>>) src(%dma_wait3A_6 : memref<8192x1024xf32, #tpu.memory_space<hbm>>) dst(%arg7 : memref<64x1024xf32, #tpu.memory_space<vmem>>)
    "tpu.region"() ({
      %run_scoped3A_14 = tpu.sem_alloc : memref<!tpu.dma_semaphore, #tpu.memory_space<semaphore_mem>>
      %dma_start3A_15 = arith.constant 0 : i32
      %dma_start3A_16 = tpu.memref_slice %arg4[%mul3A_2, %dma_start3A_15] : memref<2048x1024xf32, #tpu.memory_space<hbm>> -> memref<64x1024xf32, #tpu.memory_space<hbm>>
      %dma_start3A_17 = arith.constant 0 : i32
      %dma_start3A_18 = tpu.memref_slice %arg4[%mul3A_2, %dma_start3A_17] : memref<2048x1024xf32, #tpu.memory_space<hbm>> -> memref<64x1024xf32, #tpu.memory_space<hbm>>
      tpu.enqueue_dma source(%arg7 : memref<64x1024xf32, #tpu.memory_space<vmem>>) target(%dma_start3A_18 : memref<64x1024xf32, #tpu.memory_space<hbm>>) target_semaphore(%run_scoped3A_14 : memref<!tpu.dma_semaphore, #tpu.memory_space<semaphore_mem>>)
      %dma_wait3A_19 = arith.constant 0 : i32
      %dma_wait3A_20 = tpu.memref_slice %arg4[%mul3A_2, %dma_wait3A_19] : memref<2048x1024xf32, #tpu.memory_space<hbm>> -> memref<64x1024xf32, #tpu.memory_space<hbm>>
      %dma_wait3A_21 = arith.constant 0 : i32
      %dma_wait3A_22 = tpu.memref_slice %arg4[%mul3A_2, %dma_wait3A_21] : memref<2048x1024xf32, #tpu.memory_space<hbm>> -> memref<64x1024xf32, #tpu.memory_space<hbm>>
      tpu.wait_dma2 semaphore(%run_scoped3A_14 : memref<!tpu.dma_semaphore, #tpu.memory_space<semaphore_mem>>) src(%arg7 : memref<64x1024xf32, #tpu.memory_space<vmem>>) dst(%dma_wait3A_22 : memref<64x1024xf32, #tpu.memory_space<hbm>>)
      tpu.yield
    }) : () -> ()
    %run_scoped3A_7 = arith.constant 3 : i32
    "tpu.region"() ({
      %run_scoped3A_14 = tpu.sem_alloc : memref<!tpu.dma_semaphore, #tpu.memory_space<semaphore_mem>>
      %dma_start3A_15 = tpu.memref_slice %arg3[%run_scoped3A_7, %mul3A_2] : memref<4x2048xi32, #tpu.memory_space<hbm>> -> memref<1x64xi32, #tpu.memory_space<hbm>>
      %dma_start3A_16 = tpu.memref_squeeze %dma_start3A_15 : memref<1x64xi32, #tpu.memory_space<hbm>> -> memref<64xi32, #tpu.memory_space<hbm>>
      %dma_start3A_17 = tpu.memref_slice %arg3[%run_scoped3A_7, %mul3A_2] : memref<4x2048xi32, #tpu.memory_space<hbm>> -> memref<1x64xi32, #tpu.memory_space<hbm>>
      %dma_start3A_18 = tpu.memref_squeeze %dma_start3A_17 : memref<1x64xi32, #tpu.memory_space<hbm>> -> memref<64xi32, #tpu.memory_space<hbm>>
      tpu.enqueue_dma source(%dma_start3A_18 : memref<64xi32, #tpu.memory_space<hbm>>) target(%arg6 : memref<64xi32, #tpu.memory_space<vmem>>) target_semaphore(%run_scoped3A_14 : memref<!tpu.dma_semaphore, #tpu.memory_space<semaphore_mem>>)
      %dma_wait3A_19 = tpu.memref_slice %arg3[%run_scoped3A_7, %mul3A_2] : memref<4x2048xi32, #tpu.memory_space<hbm>> -> memref<1x64xi32, #tpu.memory_space<hbm>>
      %dma_wait3A_20 = tpu.memref_squeeze %dma_wait3A_19 : memref<1x64xi32, #tpu.memory_space<hbm>> -> memref<64xi32, #tpu.memory_space<hbm>>
      %dma_wait3A_21 = tpu.memref_slice %arg3[%run_scoped3A_7, %mul3A_2] : memref<4x2048xi32, #tpu.memory_space<hbm>> -> memref<1x64xi32, #tpu.memory_space<hbm>>
      %dma_wait3A_22 = tpu.memref_squeeze %dma_wait3A_21 : memref<1x64xi32, #tpu.memory_space<hbm>> -> memref<64xi32, #tpu.memory_space<hbm>>
      tpu.wait_dma2 semaphore(%run_scoped3A_14 : memref<!tpu.dma_semaphore, #tpu.memory_space<semaphore_mem>>) src(%dma_wait3A_22 : memref<64xi32, #tpu.memory_space<hbm>>) dst(%arg6 : memref<64xi32, #tpu.memory_space<vmem>>)
      tpu.yield
    }) : () -> ()
    %dma_start3A_8 = arith.constant 0 : i32
    %dma_start3A_9 = arith.constant 0 : i32
    %dma_start3A_10 = tpu.memref_slice %arg2[%dma_start3A_8, %dma_start3A_9] : memref<8192x1024xf32, #tpu.memory_space<hbm>> -> memref<8192x1024xf32, #tpu.memory_space<hbm>>
    tpu.enqueue_indirect_dma source(%dma_start3A_10 : memref<8192x1024xf32, #tpu.memory_space<hbm>>) target(%arg7 : memref<64x1024xf32, #tpu.memory_space<vmem>>) offsets(%arg6 : memref<64xi32, #tpu.memory_space<vmem>>) semaphore(%arg8 : memref<!tpu.dma_semaphore, #tpu.memory_space<semaphore_mem>>)
    %dma_wait3A_11 = arith.constant 0 : i32
    %dma_wait3A_12 = arith.constant 0 : i32
    %dma_wait3A_13 = tpu.memref_slice %arg2[%dma_wait3A_11, %dma_wait3A_12] : memref<8192x1024xf32, #tpu.memory_space<hbm>> -> memref<8192x1024xf32, #tpu.memory_space<hbm>>
    tpu.wait_indirect_dma semaphore(%arg8 : memref<!tpu.dma_semaphore, #tpu.memory_space<semaphore_mem>>) src(%dma_wait3A_13 : memref<8192x1024xf32, #tpu.memory_space<hbm>>) dst(%arg7 : memref<64x1024xf32, #tpu.memory_space<vmem>>)
    "tpu.region"() ({
      %run_scoped3A_14 = tpu.sem_alloc : memref<!tpu.dma_semaphore, #tpu.memory_space<semaphore_mem>>
      %dma_start3A_15 = arith.constant 0 : i32
      %dma_start3A_16 = tpu.memref_slice %arg5[%mul3A_2, %dma_start3A_15] : memref<2048x1024xf32, #tpu.memory_space<hbm>> -> memref<64x1024xf32, #tpu.memory_space<hbm>>
      %dma_start3A_17 = arith.constant 0 : i32
      %dma_start3A_18 = tpu.memref_slice %arg5[%mul3A_2, %dma_start3A_17] : memref<2048x1024xf32, #tpu.memory_space<hbm>> -> memref<64x1024xf32, #tpu.memory_space<hbm>>
      tpu.enqueue_dma source(%arg7 : memref<64x1024xf32, #tpu.memory_space<vmem>>) target(%dma_start3A_18 : memref<64x1024xf32, #tpu.memory_space<hbm>>) target_semaphore(%run_scoped3A_14 : memref<!tpu.dma_semaphore, #tpu.memory_space<semaphore_mem>>)
      %dma_wait3A_19 = arith.constant 0 : i32
      %dma_wait3A_20 = tpu.memref_slice %arg5[%mul3A_2, %dma_wait3A_19] : memref<2048x1024xf32, #tpu.memory_space<hbm>> -> memref<64x1024xf32, #tpu.memory_space<hbm>>
      %dma_wait3A_21 = arith.constant 0 : i32
      %dma_wait3A_22 = tpu.memref_slice %arg5[%mul3A_2, %dma_wait3A_21] : memref<2048x1024xf32, #tpu.memory_space<hbm>> -> memref<64x1024xf32, #tpu.memory_space<hbm>>
      tpu.wait_dma2 semaphore(%run_scoped3A_14 : memref<!tpu.dma_semaphore, #tpu.memory_space<semaphore_mem>>) src(%arg7 : memref<64x1024xf32, #tpu.memory_space<vmem>>) dst(%dma_wait3A_22 : memref<64x1024xf32, #tpu.memory_space<hbm>>)
      tpu.yield
    }) : () -> ()
    return
  }
}

#map = affine_map<(d0, d1) -> (0, 0)>
module attributes {stable_mosaic.version = 14 : i64} {
  func.func @run(%arg0: i32, %arg1: i32, %arg2: memref<2048x1024xf32, #tpu.memory_space<hbm>>, %arg3: memref<4x2048xi32, #tpu.memory_space<hbm>>, %arg4: memref<8320x1024xf32, #tpu.memory_space<hbm>>, %arg5: memref<64xi32, #tpu.memory_space<vmem>>, %arg6: memref<64x1024xf32, #tpu.memory_space<vmem>>, %arg7: memref<!tpu.dma_semaphore, #tpu.memory_space<semaphore_mem>>) attributes {dimension_semantics = [#tpu.dimension_semantics<core_parallel>, #tpu.dimension_semantics<subcore_parallel>], iteration_bounds = array<i64: 2, 16>, scalar_prefetch = 0 : i64, scratch_operands = 3 : i64, tpu.core_type = #tpu.core_type<sc_vector_subcore>, window_params = [{transform_indices = #map}, {transform_indices = #map}, {transform_indices = #map}]} {
    %mul3A = arith.constant 2 : i32
    %mul3A_0 = arith.muli %arg1, %mul3A : i32
    %add3A = arith.addi %mul3A_0, %arg0 : i32
    %mul3A_1 = arith.constant 64 : i32
    %mul3A_2 = arith.muli %add3A, %mul3A_1 : i32
    "tpu.region"() ({
      %run_scoped3A_14 = tpu.sem_alloc : memref<!tpu.dma_semaphore, #tpu.memory_space<semaphore_mem>>
      %dma_start3A_15 = arith.constant 0 : i32
      %dma_start3A_16 = tpu.memref_slice %arg2[%mul3A_2, %dma_start3A_15] : memref<2048x1024xf32, #tpu.memory_space<hbm>> -> memref<64x1024xf32, #tpu.memory_space<hbm>>
      %dma_start3A_17 = arith.constant 0 : i32
      %dma_start3A_18 = tpu.memref_slice %arg2[%mul3A_2, %dma_start3A_17] : memref<2048x1024xf32, #tpu.memory_space<hbm>> -> memref<64x1024xf32, #tpu.memory_space<hbm>>
      tpu.enqueue_dma source(%dma_start3A_18 : memref<64x1024xf32, #tpu.memory_space<hbm>>) target(%arg6 : memref<64x1024xf32, #tpu.memory_space<vmem>>) target_semaphore(%run_scoped3A_14 : memref<!tpu.dma_semaphore, #tpu.memory_space<semaphore_mem>>)
      %dma_wait3A_19 = arith.constant 0 : i32
      %dma_wait3A_20 = tpu.memref_slice %arg2[%mul3A_2, %dma_wait3A_19] : memref<2048x1024xf32, #tpu.memory_space<hbm>> -> memref<64x1024xf32, #tpu.memory_space<hbm>>
      %dma_wait3A_21 = arith.constant 0 : i32
      %dma_wait3A_22 = tpu.memref_slice %arg2[%mul3A_2, %dma_wait3A_21] : memref<2048x1024xf32, #tpu.memory_space<hbm>> -> memref<64x1024xf32, #tpu.memory_space<hbm>>
      tpu.wait_dma2 semaphore(%run_scoped3A_14 : memref<!tpu.dma_semaphore, #tpu.memory_space<semaphore_mem>>) src(%dma_wait3A_22 : memref<64x1024xf32, #tpu.memory_space<hbm>>) dst(%arg6 : memref<64x1024xf32, #tpu.memory_space<vmem>>)
      tpu.yield
    }) : () -> ()
    %run_scoped3A = arith.constant 0 : i32
    "tpu.region"() ({
      %run_scoped3A_14 = tpu.sem_alloc : memref<!tpu.dma_semaphore, #tpu.memory_space<semaphore_mem>>
      %dma_start3A_15 = tpu.memref_slice %arg3[%run_scoped3A, %mul3A_2] : memref<4x2048xi32, #tpu.memory_space<hbm>> -> memref<1x64xi32, #tpu.memory_space<hbm>>
      %dma_start3A_16 = tpu.memref_squeeze %dma_start3A_15 : memref<1x64xi32, #tpu.memory_space<hbm>> -> memref<64xi32, #tpu.memory_space<hbm>>
      %dma_start3A_17 = tpu.memref_slice %arg3[%run_scoped3A, %mul3A_2] : memref<4x2048xi32, #tpu.memory_space<hbm>> -> memref<1x64xi32, #tpu.memory_space<hbm>>
      %dma_start3A_18 = tpu.memref_squeeze %dma_start3A_17 : memref<1x64xi32, #tpu.memory_space<hbm>> -> memref<64xi32, #tpu.memory_space<hbm>>
      tpu.enqueue_dma source(%dma_start3A_18 : memref<64xi32, #tpu.memory_space<hbm>>) target(%arg5 : memref<64xi32, #tpu.memory_space<vmem>>) target_semaphore(%run_scoped3A_14 : memref<!tpu.dma_semaphore, #tpu.memory_space<semaphore_mem>>)
      %dma_wait3A_19 = tpu.memref_slice %arg3[%run_scoped3A, %mul3A_2] : memref<4x2048xi32, #tpu.memory_space<hbm>> -> memref<1x64xi32, #tpu.memory_space<hbm>>
      %dma_wait3A_20 = tpu.memref_squeeze %dma_wait3A_19 : memref<1x64xi32, #tpu.memory_space<hbm>> -> memref<64xi32, #tpu.memory_space<hbm>>
      %dma_wait3A_21 = tpu.memref_slice %arg3[%run_scoped3A, %mul3A_2] : memref<4x2048xi32, #tpu.memory_space<hbm>> -> memref<1x64xi32, #tpu.memory_space<hbm>>
      %dma_wait3A_22 = tpu.memref_squeeze %dma_wait3A_21 : memref<1x64xi32, #tpu.memory_space<hbm>> -> memref<64xi32, #tpu.memory_space<hbm>>
      tpu.wait_dma2 semaphore(%run_scoped3A_14 : memref<!tpu.dma_semaphore, #tpu.memory_space<semaphore_mem>>) src(%dma_wait3A_22 : memref<64xi32, #tpu.memory_space<hbm>>) dst(%arg5 : memref<64xi32, #tpu.memory_space<vmem>>)
      tpu.yield
    }) : () -> ()
    %dma_start3A = arith.constant 0 : i32
    %dma_start3A_3 = arith.constant 0 : i32
    %dma_start3A_4 = tpu.memref_slice %arg4[%dma_start3A, %dma_start3A_3] : memref<8320x1024xf32, #tpu.memory_space<hbm>> -> memref<8320x1024xf32, #tpu.memory_space<hbm>>
    tpu.enqueue_indirect_dma source(%arg6 : memref<64x1024xf32, #tpu.memory_space<vmem>>) target(%dma_start3A_4 : memref<8320x1024xf32, #tpu.memory_space<hbm>>) offsets(%arg5 : memref<64xi32, #tpu.memory_space<vmem>>) semaphore(%arg7 : memref<!tpu.dma_semaphore, #tpu.memory_space<semaphore_mem>>)
    %dma_wait3A = arith.constant 0 : i32
    %dma_wait3A_5 = arith.constant 0 : i32
    %dma_wait3A_6 = tpu.memref_slice %arg4[%dma_wait3A, %dma_wait3A_5] : memref<8320x1024xf32, #tpu.memory_space<hbm>> -> memref<8320x1024xf32, #tpu.memory_space<hbm>>
    tpu.wait_indirect_dma semaphore(%arg7 : memref<!tpu.dma_semaphore, #tpu.memory_space<semaphore_mem>>) src(%arg6 : memref<64x1024xf32, #tpu.memory_space<vmem>>) dst(%dma_wait3A_6 : memref<8320x1024xf32, #tpu.memory_space<hbm>>)
    %run_scoped3A_7 = arith.constant 1 : i32
    "tpu.region"() ({
      %run_scoped3A_14 = tpu.sem_alloc : memref<!tpu.dma_semaphore, #tpu.memory_space<semaphore_mem>>
      %dma_start3A_15 = tpu.memref_slice %arg3[%run_scoped3A_7, %mul3A_2] : memref<4x2048xi32, #tpu.memory_space<hbm>> -> memref<1x64xi32, #tpu.memory_space<hbm>>
      %dma_start3A_16 = tpu.memref_squeeze %dma_start3A_15 : memref<1x64xi32, #tpu.memory_space<hbm>> -> memref<64xi32, #tpu.memory_space<hbm>>
      %dma_start3A_17 = tpu.memref_slice %arg3[%run_scoped3A_7, %mul3A_2] : memref<4x2048xi32, #tpu.memory_space<hbm>> -> memref<1x64xi32, #tpu.memory_space<hbm>>
      %dma_start3A_18 = tpu.memref_squeeze %dma_start3A_17 : memref<1x64xi32, #tpu.memory_space<hbm>> -> memref<64xi32, #tpu.memory_space<hbm>>
      tpu.enqueue_dma source(%dma_start3A_18 : memref<64xi32, #tpu.memory_space<hbm>>) target(%arg5 : memref<64xi32, #tpu.memory_space<vmem>>) target_semaphore(%run_scoped3A_14 : memref<!tpu.dma_semaphore, #tpu.memory_space<semaphore_mem>>)
      %dma_wait3A_19 = tpu.memref_slice %arg3[%run_scoped3A_7, %mul3A_2] : memref<4x2048xi32, #tpu.memory_space<hbm>> -> memref<1x64xi32, #tpu.memory_space<hbm>>
      %dma_wait3A_20 = tpu.memref_squeeze %dma_wait3A_19 : memref<1x64xi32, #tpu.memory_space<hbm>> -> memref<64xi32, #tpu.memory_space<hbm>>
      %dma_wait3A_21 = tpu.memref_slice %arg3[%run_scoped3A_7, %mul3A_2] : memref<4x2048xi32, #tpu.memory_space<hbm>> -> memref<1x64xi32, #tpu.memory_space<hbm>>
      %dma_wait3A_22 = tpu.memref_squeeze %dma_wait3A_21 : memref<1x64xi32, #tpu.memory_space<hbm>> -> memref<64xi32, #tpu.memory_space<hbm>>
      tpu.wait_dma2 semaphore(%run_scoped3A_14 : memref<!tpu.dma_semaphore, #tpu.memory_space<semaphore_mem>>) src(%dma_wait3A_22 : memref<64xi32, #tpu.memory_space<hbm>>) dst(%arg5 : memref<64xi32, #tpu.memory_space<vmem>>)
      tpu.yield
    }) : () -> ()
    %dma_start3A_8 = arith.constant 0 : i32
    %dma_start3A_9 = arith.constant 0 : i32
    %dma_start3A_10 = tpu.memref_slice %arg4[%dma_start3A_8, %dma_start3A_9] : memref<8320x1024xf32, #tpu.memory_space<hbm>> -> memref<8320x1024xf32, #tpu.memory_space<hbm>>
    tpu.enqueue_indirect_dma source(%arg6 : memref<64x1024xf32, #tpu.memory_space<vmem>>) target(%dma_start3A_10 : memref<8320x1024xf32, #tpu.memory_space<hbm>>) offsets(%arg5 : memref<64xi32, #tpu.memory_space<vmem>>) semaphore(%arg7 : memref<!tpu.dma_semaphore, #tpu.memory_space<semaphore_mem>>)
    %dma_wait3A_11 = arith.constant 0 : i32
    %dma_wait3A_12 = arith.constant 0 : i32
    %dma_wait3A_13 = tpu.memref_slice %arg4[%dma_wait3A_11, %dma_wait3A_12] : memref<8320x1024xf32, #tpu.memory_space<hbm>> -> memref<8320x1024xf32, #tpu.memory_space<hbm>>
    tpu.wait_indirect_dma semaphore(%arg7 : memref<!tpu.dma_semaphore, #tpu.memory_space<semaphore_mem>>) src(%arg6 : memref<64x1024xf32, #tpu.memory_space<vmem>>) dst(%dma_wait3A_13 : memref<8320x1024xf32, #tpu.memory_space<hbm>>)
    return
  }
}

module attributes {stable_mosaic.version = 14 : i64} {
  func.func @_attn_chunk_body(%arg0: i32, %arg1: memref<512x128xbf16, #tpu.memory_space<vmem>>, %arg2: memref<1024x128xbf16, #tpu.memory_space<vmem>>, %arg3: memref<1024x128xbf16, #tpu.memory_space<vmem>>, %arg4: memref<512x128xbf16, #tpu.memory_space<vmem>>) attributes {dimension_semantics = [#tpu.dimension_semantics<arbitrary>], iteration_bounds = array<i64: 8>, scalar_prefetch = 0 : i64, scratch_operands = 0 : i64, tpu.core_type = #tpu.core_type<tc>, window_params = [{transform_indices = @transform_0, window_bounds = array<i64: 512, 128>}, {transform_indices = @transform_1, window_bounds = array<i64: 1024, 128>}, {transform_indices = @transform_2, window_bounds = array<i64: 1024, 128>}, {transform_indices = @transform_3, window_bounds = array<i64: 512, 128>}]} {
    %iota3A = tpu.iota {dimensions = array<i32: 0>} : vector<512x512xi32>
    %iota3A_0 = tpu.iota {dimensions = array<i32: 1>} : vector<512x512xi32>
    %le3A = arith.cmpi sle, %iota3A_0, %iota3A : vector<512x512xi32>
    %get3A = arith.constant 0 : index
    %get3A_1 = arith.constant 0 : index
    %get3A_2 = vector.load %arg1[%get3A, %get3A_1] : memref<512x128xbf16, #tpu.memory_space<vmem>>, vector<512x64xbf16>
    %get3A_3 = arith.constant 512 : index
    %get3A_4 = arith.constant 0 : index
    %get3A_5 = vector.load %arg2[%get3A_3, %get3A_4] : memref<1024x128xbf16, #tpu.memory_space<vmem>>, vector<512x64xbf16>
    %dot_general3A = arith.constant dense<0.000000e+00> : vector<512x512xf32>
    %dot_general3A_6 = tpu.matmul %get3A_2, %get3A_5, %dot_general3A {dimension_numbers = #tpu.dot_dimension_numbers<[1], [1], [0], [0], [0, 0, 1, 0], [], []>, transpose_lhs_hint = false} : vector<512x64xbf16>, vector<512x64xbf16>, vector<512x512xf32> -> vector<512x512xf32>
    %convert_element_type3A = arith.truncf %dot_general3A_6 : vector<512x512xf32> to vector<512x512xbf16>
    %mul3A = arith.constant 1.250000e-01 : bf16
    %mul3A_7 = vector.broadcast %mul3A : bf16 to vector<512x512xbf16>
    %mul3A_8 = arith.mulf %convert_element_type3A, %mul3A_7 : vector<512x512xbf16>
    %jit3A = arith.constant -9.982440e+08 : bf16
    %broadcast_in_dim3A = vector.broadcast %jit3A : bf16 to vector<512x512xbf16>
    %select_n3A = arith.select %le3A, %mul3A_8, %broadcast_in_dim3A : vector<512x512xi1>, vector<512x512xbf16>
    %reduce_max3A = arith.constant dense<0xFF80> : vector<512xbf16>
    %reduce_max3A_9 = vector.multi_reduction <maximumf>, %select_n3A, %reduce_max3A [1] : vector<512x512xbf16> to vector<512xbf16>
    %broadcast_in_dim3A_10 = vector.shape_cast %reduce_max3A_9 : vector<512xbf16> to vector<512x1xbf16>
    %get3A_11 = arith.constant 0 : index
    %get3A_12 = arith.constant 0 : index
    %get3A_13 = vector.load %arg2[%get3A_11, %get3A_12] : memref<1024x128xbf16, #tpu.memory_space<vmem>>, vector<512x64xbf16>
    %dot_general3A_14 = arith.constant dense<0.000000e+00> : vector<512x512xf32>
    %dot_general3A_15 = tpu.matmul %get3A_2, %get3A_13, %dot_general3A_14 {dimension_numbers = #tpu.dot_dimension_numbers<[1], [1], [0], [0], [0, 0, 1, 0], [], []>, transpose_lhs_hint = false} : vector<512x64xbf16>, vector<512x64xbf16>, vector<512x512xf32> -> vector<512x512xf32>
    %convert_element_type3A_16 = arith.truncf %dot_general3A_15 : vector<512x512xf32> to vector<512x512xbf16>
    %mul3A_17 = arith.constant 1.250000e-01 : bf16
    %mul3A_18 = vector.broadcast %mul3A_17 : bf16 to vector<512x512xbf16>
    %mul3A_19 = arith.mulf %convert_element_type3A_16, %mul3A_18 : vector<512x512xbf16>
    %reduce_max3A_20 = arith.constant dense<0xFF80> : vector<512xbf16>
    %reduce_max3A_21 = vector.multi_reduction <maximumf>, %mul3A_19, %reduce_max3A_20 [1] : vector<512x512xbf16> to vector<512xbf16>
    %broadcast_in_dim3A_22 = vector.shape_cast %reduce_max3A_21 : vector<512xbf16> to vector<512x1xbf16>
    %max3A = arith.maximumf %broadcast_in_dim3A_10, %broadcast_in_dim3A_22 : vector<512x1xbf16>
    %sub3A = vector.broadcast %max3A : vector<512x1xbf16> to vector<512x512xbf16>
    %sub3A_23 = arith.subf %mul3A_19, %sub3A : vector<512x512xbf16>
    %exp3A = math.exp %sub3A_23 : vector<512x512xbf16>
    %sub3A_24 = vector.broadcast %max3A : vector<512x1xbf16> to vector<512x512xbf16>
    %sub3A_25 = arith.subf %select_n3A, %sub3A_24 : vector<512x512xbf16>
    %exp3A_26 = math.exp %sub3A_25 : vector<512x512xbf16>
    %convert_element_type3A_27 = arith.extf %exp3A : vector<512x512xbf16> to vector<512x512xf32>
    %reduce_sum3A = arith.constant dense<0.000000e+00> : vector<512xf32>
    %reduce_sum3A_28 = vector.multi_reduction <add>, %convert_element_type3A_27, %reduce_sum3A [1] : vector<512x512xf32> to vector<512xf32>
    %broadcast_in_dim3A_29 = vector.shape_cast %reduce_sum3A_28 : vector<512xf32> to vector<512x1xf32>
    %convert_element_type3A_30 = arith.extf %exp3A_26 : vector<512x512xbf16> to vector<512x512xf32>
    %reduce_sum3A_31 = arith.constant dense<0.000000e+00> : vector<512xf32>
    %reduce_sum3A_32 = vector.multi_reduction <add>, %convert_element_type3A_30, %reduce_sum3A_31 [1] : vector<512x512xf32> to vector<512xf32>
    %broadcast_in_dim3A_33 = vector.shape_cast %reduce_sum3A_32 : vector<512xf32> to vector<512x1xf32>
    %add3A = arith.addf %broadcast_in_dim3A_29, %broadcast_in_dim3A_33 : vector<512x1xf32>
    %get3A_34 = arith.constant 0 : index
    %get3A_35 = arith.constant 0 : index
    %get3A_36 = vector.load %arg3[%get3A_34, %get3A_35] : memref<1024x128xbf16, #tpu.memory_space<vmem>>, vector<512x64xbf16>
    %dot_general3A_37 = arith.constant dense<0.000000e+00> : vector<512x64xf32>
    %dot_general3A_38 = tpu.matmul %exp3A, %get3A_36, %dot_general3A_37 {dimension_numbers = #tpu.dot_dimension_numbers<[1], [0], [0], [1], [0, 0, 1, 1], [], []>, transpose_lhs_hint = false} : vector<512x512xbf16>, vector<512x64xbf16>, vector<512x64xf32> -> vector<512x64xf32>
    %get3A_39 = arith.constant 512 : index
    %get3A_40 = arith.constant 0 : index
    %get3A_41 = vector.load %arg3[%get3A_39, %get3A_40] : memref<1024x128xbf16, #tpu.memory_space<vmem>>, vector<512x64xbf16>
    %dot_general3A_42 = arith.constant dense<0.000000e+00> : vector<512x64xf32>
    %dot_general3A_43 = tpu.matmul %exp3A_26, %get3A_41, %dot_general3A_42 {dimension_numbers = #tpu.dot_dimension_numbers<[1], [0], [0], [1], [0, 0, 1, 1], [], []>, transpose_lhs_hint = false} : vector<512x512xbf16>, vector<512x64xbf16>, vector<512x64xf32> -> vector<512x64xf32>
    %add3A_44 = arith.addf %dot_general3A_38, %dot_general3A_43 : vector<512x64xf32>
    %div3A = arith.constant 1.000000e+00 : f32
    %div3A_45 = vector.broadcast %div3A : f32 to vector<512x1xf32>
    %div3A_46 = arith.divf %div3A_45, %add3A : vector<512x1xf32>
    %mul3A_47 = vector.broadcast %div3A_46 : vector<512x1xf32> to vector<512x64xf32>
    %mul3A_48 = arith.mulf %add3A_44, %mul3A_47 : vector<512x64xf32>
    %get3A_49 = arith.constant 0 : index
    %get3A_50 = arith.constant 64 : index
    %get3A_51 = vector.load %arg1[%get3A_49, %get3A_50] : memref<512x128xbf16, #tpu.memory_space<vmem>>, vector<512x64xbf16>
    %get3A_52 = arith.constant 512 : index
    %get3A_53 = arith.constant 64 : index
    %get3A_54 = vector.load %arg2[%get3A_52, %get3A_53] : memref<1024x128xbf16, #tpu.memory_space<vmem>>, vector<512x64xbf16>
    %dot_general3A_55 = arith.constant dense<0.000000e+00> : vector<512x512xf32>
    %dot_general3A_56 = tpu.matmul %get3A_51, %get3A_54, %dot_general3A_55 {dimension_numbers = #tpu.dot_dimension_numbers<[1], [1], [0], [0], [0, 0, 1, 0], [], []>, transpose_lhs_hint = false} : vector<512x64xbf16>, vector<512x64xbf16>, vector<512x512xf32> -> vector<512x512xf32>
    %convert_element_type3A_57 = arith.truncf %dot_general3A_56 : vector<512x512xf32> to vector<512x512xbf16>
    %mul3A_58 = arith.constant 1.250000e-01 : bf16
    %mul3A_59 = vector.broadcast %mul3A_58 : bf16 to vector<512x512xbf16>
    %mul3A_60 = arith.mulf %convert_element_type3A_57, %mul3A_59 : vector<512x512xbf16>
    %jit3A_61 = arith.constant -9.982440e+08 : bf16
    %broadcast_in_dim3A_62 = vector.broadcast %jit3A_61 : bf16 to vector<512x512xbf16>
    %select_n3A_63 = arith.select %le3A, %mul3A_60, %broadcast_in_dim3A_62 : vector<512x512xi1>, vector<512x512xbf16>
    %reduce_max3A_64 = arith.constant dense<0xFF80> : vector<512xbf16>
    %reduce_max3A_65 = vector.multi_reduction <maximumf>, %select_n3A_63, %reduce_max3A_64 [1] : vector<512x512xbf16> to vector<512xbf16>
    %broadcast_in_dim3A_66 = vector.shape_cast %reduce_max3A_65 : vector<512xbf16> to vector<512x1xbf16>
    %get3A_67 = arith.constant 0 : index
    %get3A_68 = arith.constant 64 : index
    %get3A_69 = vector.load %arg2[%get3A_67, %get3A_68] : memref<1024x128xbf16, #tpu.memory_space<vmem>>, vector<512x64xbf16>
    %dot_general3A_70 = arith.constant dense<0.000000e+00> : vector<512x512xf32>
    %dot_general3A_71 = tpu.matmul %get3A_51, %get3A_69, %dot_general3A_70 {dimension_numbers = #tpu.dot_dimension_numbers<[1], [1], [0], [0], [0, 0, 1, 0], [], []>, transpose_lhs_hint = false} : vector<512x64xbf16>, vector<512x64xbf16>, vector<512x512xf32> -> vector<512x512xf32>
    %convert_element_type3A_72 = arith.truncf %dot_general3A_71 : vector<512x512xf32> to vector<512x512xbf16>
    %mul3A_73 = arith.constant 1.250000e-01 : bf16
    %mul3A_74 = vector.broadcast %mul3A_73 : bf16 to vector<512x512xbf16>
    %mul3A_75 = arith.mulf %convert_element_type3A_72, %mul3A_74 : vector<512x512xbf16>
    %reduce_max3A_76 = arith.constant dense<0xFF80> : vector<512xbf16>
    %reduce_max3A_77 = vector.multi_reduction <maximumf>, %mul3A_75, %reduce_max3A_76 [1] : vector<512x512xbf16> to vector<512xbf16>
    %broadcast_in_dim3A_78 = vector.shape_cast %reduce_max3A_77 : vector<512xbf16> to vector<512x1xbf16>
    %max3A_79 = arith.maximumf %broadcast_in_dim3A_66, %broadcast_in_dim3A_78 : vector<512x1xbf16>
    %sub3A_80 = vector.broadcast %max3A_79 : vector<512x1xbf16> to vector<512x512xbf16>
    %sub3A_81 = arith.subf %mul3A_75, %sub3A_80 : vector<512x512xbf16>
    %exp3A_82 = math.exp %sub3A_81 : vector<512x512xbf16>
    %sub3A_83 = vector.broadcast %max3A_79 : vector<512x1xbf16> to vector<512x512xbf16>
    %sub3A_84 = arith.subf %select_n3A_63, %sub3A_83 : vector<512x512xbf16>
    %exp3A_85 = math.exp %sub3A_84 : vector<512x512xbf16>
    %convert_element_type3A_86 = arith.extf %exp3A_82 : vector<512x512xbf16> to vector<512x512xf32>
    %reduce_sum3A_87 = arith.constant dense<0.000000e+00> : vector<512xf32>
    %reduce_sum3A_88 = vector.multi_reduction <add>, %convert_element_type3A_86, %reduce_sum3A_87 [1] : vector<512x512xf32> to vector<512xf32>
    %broadcast_in_dim3A_89 = vector.shape_cast %reduce_sum3A_88 : vector<512xf32> to vector<512x1xf32>
    %convert_element_type3A_90 = arith.extf %exp3A_85 : vector<512x512xbf16> to vector<512x512xf32>
    %reduce_sum3A_91 = arith.constant dense<0.000000e+00> : vector<512xf32>
    %reduce_sum3A_92 = vector.multi_reduction <add>, %convert_element_type3A_90, %reduce_sum3A_91 [1] : vector<512x512xf32> to vector<512xf32>
    %broadcast_in_dim3A_93 = vector.shape_cast %reduce_sum3A_92 : vector<512xf32> to vector<512x1xf32>
    %add3A_94 = arith.addf %broadcast_in_dim3A_89, %broadcast_in_dim3A_93 : vector<512x1xf32>
    %get3A_95 = arith.constant 0 : index
    %get3A_96 = arith.constant 64 : index
    %get3A_97 = vector.load %arg3[%get3A_95, %get3A_96] : memref<1024x128xbf16, #tpu.memory_space<vmem>>, vector<512x64xbf16>
    %dot_general3A_98 = arith.constant dense<0.000000e+00> : vector<512x64xf32>
    %dot_general3A_99 = tpu.matmul %exp3A_82, %get3A_97, %dot_general3A_98 {dimension_numbers = #tpu.dot_dimension_numbers<[1], [0], [0], [1], [0, 0, 1, 1], [], []>, transpose_lhs_hint = false} : vector<512x512xbf16>, vector<512x64xbf16>, vector<512x64xf32> -> vector<512x64xf32>
    %get3A_100 = arith.constant 512 : index
    %get3A_101 = arith.constant 64 : index
    %get3A_102 = vector.load %arg3[%get3A_100, %get3A_101] : memref<1024x128xbf16, #tpu.memory_space<vmem>>, vector<512x64xbf16>
    %dot_general3A_103 = arith.constant dense<0.000000e+00> : vector<512x64xf32>
    %dot_general3A_104 = tpu.matmul %exp3A_85, %get3A_102, %dot_general3A_103 {dimension_numbers = #tpu.dot_dimension_numbers<[1], [0], [0], [1], [0, 0, 1, 1], [], []>, transpose_lhs_hint = false} : vector<512x512xbf16>, vector<512x64xbf16>, vector<512x64xf32> -> vector<512x64xf32>
    %add3A_105 = arith.addf %dot_general3A_99, %dot_general3A_104 : vector<512x64xf32>
    %div3A_106 = arith.constant 1.000000e+00 : f32
    %div3A_107 = vector.broadcast %div3A_106 : f32 to vector<512x1xf32>
    %div3A_108 = arith.divf %div3A_107, %add3A_94 : vector<512x1xf32>
    %mul3A_109 = vector.broadcast %div3A_108 : vector<512x1xf32> to vector<512x64xf32>
    %mul3A_110 = arith.mulf %add3A_105, %mul3A_109 : vector<512x64xf32>
    %concatenate3A = tpu.concatenate %mul3A_48, %mul3A_110 in 1 : vector<512x64xf32>, vector<512x64xf32> -> vector<512x128xf32>
    %convert_element_type3A_111 = arith.truncf %concatenate3A : vector<512x128xf32> to vector<512x128xbf16>
    %swap3A = arith.constant 0 : index
    %swap3A_112 = arith.constant 0 : index
    %swap3A_113 = vector.load %arg4[%swap3A, %swap3A_112] : memref<512x128xbf16, #tpu.memory_space<vmem>>, vector<512x128xbf16>
    tpu.vector_store %arg4[%swap3A, %swap3A_112], %convert_element_type3A_111 {strides = array<i32>} : memref<512x128xbf16, #tpu.memory_space<vmem>>, vector<512x128xbf16>,
    return
  }
  func.func @transform_0(%arg0: i32) -> (i32, i32) {
    %c1_i32 = arith.constant 1 : i32
    %c0_i32 = arith.constant 0 : i32
    return %c1_i32, %arg0 : i32, i32
  }
  func.func @transform_1(%arg0: i32) -> (i32, i32) {
    %c0_i32 = arith.constant 0 : i32
    %c0_i32_0 = arith.constant 0 : i32
    return %c0_i32, %arg0 : i32, i32
  }
  func.func @transform_2(%arg0: i32) -> (i32, i32) {
    %c0_i32 = arith.constant 0 : i32
    %c0_i32_0 = arith.constant 0 : i32
    return %c0_i32, %arg0 : i32, i32
  }
  func.func @transform_3(%arg0: i32) -> (i32, i32) {
    %c0_i32 = arith.constant 0 : i32
    %c0_i32_0 = arith.constant 0 : i32
    return %c0_i32, %arg0 : i32, i32
  }
}

module attributes {stable_mosaic.version = 14 : i64} {
  func.func @_attn_chunk_body(%arg0: i32, %arg1: memref<512x128xbf16, #tpu.memory_space<vmem>>, %arg2: memref<2048x128xbf16, #tpu.memory_space<vmem>>, %arg3: memref<2048x128xbf16, #tpu.memory_space<vmem>>, %arg4: memref<512x128xbf16, #tpu.memory_space<vmem>>) attributes {dimension_semantics = [#tpu.dimension_semantics<arbitrary>], iteration_bounds = array<i64: 8>, scalar_prefetch = 0 : i64, scratch_operands = 0 : i64, tpu.core_type = #tpu.core_type<tc>, window_params = [{transform_indices = @transform_0, window_bounds = array<i64: 512, 128>}, {transform_indices = @transform_1, window_bounds = array<i64: 2048, 128>}, {transform_indices = @transform_2, window_bounds = array<i64: 2048, 128>}, {transform_indices = @transform_3, window_bounds = array<i64: 512, 128>}]} {
    %iota3A = tpu.iota {dimensions = array<i32: 0>} : vector<512x512xi32>
    %iota3A_0 = tpu.iota {dimensions = array<i32: 1>} : vector<512x512xi32>
    %le3A = arith.cmpi sle, %iota3A_0, %iota3A : vector<512x512xi32>
    %get3A = arith.constant 0 : index
    %get3A_1 = arith.constant 0 : index
    %get3A_2 = vector.load %arg1[%get3A, %get3A_1] : memref<512x128xbf16, #tpu.memory_space<vmem>>, vector<512x64xbf16>
    %get3A_3 = arith.constant 1536 : index
    %get3A_4 = arith.constant 0 : index
    %get3A_5 = vector.load %arg2[%get3A_3, %get3A_4] : memref<2048x128xbf16, #tpu.memory_space<vmem>>, vector<512x64xbf16>
    %dot_general3A = arith.constant dense<0.000000e+00> : vector<512x512xf32>
    %dot_general3A_6 = tpu.matmul %get3A_2, %get3A_5, %dot_general3A {dimension_numbers = #tpu.dot_dimension_numbers<[1], [1], [0], [0], [0, 0, 1, 0], [], []>, transpose_lhs_hint = false} : vector<512x64xbf16>, vector<512x64xbf16>, vector<512x512xf32> -> vector<512x512xf32>
    %convert_element_type3A = arith.truncf %dot_general3A_6 : vector<512x512xf32> to vector<512x512xbf16>
    %mul3A = arith.constant 1.250000e-01 : bf16
    %mul3A_7 = vector.broadcast %mul3A : bf16 to vector<512x512xbf16>
    %mul3A_8 = arith.mulf %convert_element_type3A, %mul3A_7 : vector<512x512xbf16>
    %jit3A = arith.constant -9.982440e+08 : bf16
    %broadcast_in_dim3A = vector.broadcast %jit3A : bf16 to vector<512x512xbf16>
    %select_n3A = arith.select %le3A, %mul3A_8, %broadcast_in_dim3A : vector<512x512xi1>, vector<512x512xbf16>
    %reduce_max3A = arith.constant dense<0xFF80> : vector<512xbf16>
    %reduce_max3A_9 = vector.multi_reduction <maximumf>, %select_n3A, %reduce_max3A [1] : vector<512x512xbf16> to vector<512xbf16>
    %broadcast_in_dim3A_10 = vector.shape_cast %reduce_max3A_9 : vector<512xbf16> to vector<512x1xbf16>
    %get3A_11 = arith.constant 0 : index
    %get3A_12 = arith.constant 0 : index
    %get3A_13 = vector.load %arg2[%get3A_11, %get3A_12] : memref<2048x128xbf16, #tpu.memory_space<vmem>>, vector<1536x64xbf16>
    %dot_general3A_14 = arith.constant dense<0.000000e+00> : vector<512x1536xf32>
    %dot_general3A_15 = tpu.matmul %get3A_2, %get3A_13, %dot_general3A_14 {dimension_numbers = #tpu.dot_dimension_numbers<[1], [1], [0], [0], [0, 0, 1, 0], [], []>, transpose_lhs_hint = false} : vector<512x64xbf16>, vector<1536x64xbf16>, vector<512x1536xf32> -> vector<512x1536xf32>
    %convert_element_type3A_16 = arith.truncf %dot_general3A_15 : vector<512x1536xf32> to vector<512x1536xbf16>
    %mul3A_17 = arith.constant 1.250000e-01 : bf16
    %mul3A_18 = vector.broadcast %mul3A_17 : bf16 to vector<512x1536xbf16>
    %mul3A_19 = arith.mulf %convert_element_type3A_16, %mul3A_18 : vector<512x1536xbf16>
    %reduce_max3A_20 = arith.constant dense<0xFF80> : vector<512xbf16>
    %reduce_max3A_21 = vector.multi_reduction <maximumf>, %mul3A_19, %reduce_max3A_20 [1] : vector<512x1536xbf16> to vector<512xbf16>
    %broadcast_in_dim3A_22 = vector.shape_cast %reduce_max3A_21 : vector<512xbf16> to vector<512x1xbf16>
    %max3A = arith.maximumf %broadcast_in_dim3A_10, %broadcast_in_dim3A_22 : vector<512x1xbf16>
    %sub3A = vector.broadcast %max3A : vector<512x1xbf16> to vector<512x1536xbf16>
    %sub3A_23 = arith.subf %mul3A_19, %sub3A : vector<512x1536xbf16>
    %exp3A = math.exp %sub3A_23 : vector<512x1536xbf16>
    %sub3A_24 = vector.broadcast %max3A : vector<512x1xbf16> to vector<512x512xbf16>
    %sub3A_25 = arith.subf %select_n3A, %sub3A_24 : vector<512x512xbf16>
    %exp3A_26 = math.exp %sub3A_25 : vector<512x512xbf16>
    %convert_element_type3A_27 = arith.extf %exp3A : vector<512x1536xbf16> to vector<512x1536xf32>
    %reduce_sum3A = arith.constant dense<0.000000e+00> : vector<512xf32>
    %reduce_sum3A_28 = vector.multi_reduction <add>, %convert_element_type3A_27, %reduce_sum3A [1] : vector<512x1536xf32> to vector<512xf32>
    %broadcast_in_dim3A_29 = vector.shape_cast %reduce_sum3A_28 : vector<512xf32> to vector<512x1xf32>
    %convert_element_type3A_30 = arith.extf %exp3A_26 : vector<512x512xbf16> to vector<512x512xf32>
    %reduce_sum3A_31 = arith.constant dense<0.000000e+00> : vector<512xf32>
    %reduce_sum3A_32 = vector.multi_reduction <add>, %convert_element_type3A_30, %reduce_sum3A_31 [1] : vector<512x512xf32> to vector<512xf32>
    %broadcast_in_dim3A_33 = vector.shape_cast %reduce_sum3A_32 : vector<512xf32> to vector<512x1xf32>
    %add3A = arith.addf %broadcast_in_dim3A_29, %broadcast_in_dim3A_33 : vector<512x1xf32>
    %get3A_34 = arith.constant 0 : index
    %get3A_35 = arith.constant 0 : index
    %get3A_36 = vector.load %arg3[%get3A_34, %get3A_35] : memref<2048x128xbf16, #tpu.memory_space<vmem>>, vector<1536x64xbf16>
    %dot_general3A_37 = arith.constant dense<0.000000e+00> : vector<512x64xf32>
    %dot_general3A_38 = tpu.matmul %exp3A, %get3A_36, %dot_general3A_37 {dimension_numbers = #tpu.dot_dimension_numbers<[1], [0], [0], [1], [0, 0, 1, 1], [], []>, transpose_lhs_hint = false} : vector<512x1536xbf16>, vector<1536x64xbf16>, vector<512x64xf32> -> vector<512x64xf32>
    %get3A_39 = arith.constant 1536 : index
    %get3A_40 = arith.constant 0 : index
    %get3A_41 = vector.load %arg3[%get3A_39, %get3A_40] : memref<2048x128xbf16, #tpu.memory_space<vmem>>, vector<512x64xbf16>
    %dot_general3A_42 = arith.constant dense<0.000000e+00> : vector<512x64xf32>
    %dot_general3A_43 = tpu.matmul %exp3A_26, %get3A_41, %dot_general3A_42 {dimension_numbers = #tpu.dot_dimension_numbers<[1], [0], [0], [1], [0, 0, 1, 1], [], []>, transpose_lhs_hint = false} : vector<512x512xbf16>, vector<512x64xbf16>, vector<512x64xf32> -> vector<512x64xf32>
    %add3A_44 = arith.addf %dot_general3A_38, %dot_general3A_43 : vector<512x64xf32>
    %div3A = arith.constant 1.000000e+00 : f32
    %div3A_45 = vector.broadcast %div3A : f32 to vector<512x1xf32>
    %div3A_46 = arith.divf %div3A_45, %add3A : vector<512x1xf32>
    %mul3A_47 = vector.broadcast %div3A_46 : vector<512x1xf32> to vector<512x64xf32>
    %mul3A_48 = arith.mulf %add3A_44, %mul3A_47 : vector<512x64xf32>
    %get3A_49 = arith.constant 0 : index
    %get3A_50 = arith.constant 64 : index
    %get3A_51 = vector.load %arg1[%get3A_49, %get3A_50] : memref<512x128xbf16, #tpu.memory_space<vmem>>, vector<512x64xbf16>
    %get3A_52 = arith.constant 1536 : index
    %get3A_53 = arith.constant 64 : index
    %get3A_54 = vector.load %arg2[%get3A_52, %get3A_53] : memref<2048x128xbf16, #tpu.memory_space<vmem>>, vector<512x64xbf16>
    %dot_general3A_55 = arith.constant dense<0.000000e+00> : vector<512x512xf32>
    %dot_general3A_56 = tpu.matmul %get3A_51, %get3A_54, %dot_general3A_55 {dimension_numbers = #tpu.dot_dimension_numbers<[1], [1], [0], [0], [0, 0, 1, 0], [], []>, transpose_lhs_hint = false} : vector<512x64xbf16>, vector<512x64xbf16>, vector<512x512xf32> -> vector<512x512xf32>
    %convert_element_type3A_57 = arith.truncf %dot_general3A_56 : vector<512x512xf32> to vector<512x512xbf16>
    %mul3A_58 = arith.constant 1.250000e-01 : bf16
    %mul3A_59 = vector.broadcast %mul3A_58 : bf16 to vector<512x512xbf16>
    %mul3A_60 = arith.mulf %convert_element_type3A_57, %mul3A_59 : vector<512x512xbf16>
    %jit3A_61 = arith.constant -9.982440e+08 : bf16
    %broadcast_in_dim3A_62 = vector.broadcast %jit3A_61 : bf16 to vector<512x512xbf16>
    %select_n3A_63 = arith.select %le3A, %mul3A_60, %broadcast_in_dim3A_62 : vector<512x512xi1>, vector<512x512xbf16>
    %reduce_max3A_64 = arith.constant dense<0xFF80> : vector<512xbf16>
    %reduce_max3A_65 = vector.multi_reduction <maximumf>, %select_n3A_63, %reduce_max3A_64 [1] : vector<512x512xbf16> to vector<512xbf16>
    %broadcast_in_dim3A_66 = vector.shape_cast %reduce_max3A_65 : vector<512xbf16> to vector<512x1xbf16>
    %get3A_67 = arith.constant 0 : index
    %get3A_68 = arith.constant 64 : index
    %get3A_69 = vector.load %arg2[%get3A_67, %get3A_68] : memref<2048x128xbf16, #tpu.memory_space<vmem>>, vector<1536x64xbf16>
    %dot_general3A_70 = arith.constant dense<0.000000e+00> : vector<512x1536xf32>
    %dot_general3A_71 = tpu.matmul %get3A_51, %get3A_69, %dot_general3A_70 {dimension_numbers = #tpu.dot_dimension_numbers<[1], [1], [0], [0], [0, 0, 1, 0], [], []>, transpose_lhs_hint = false} : vector<512x64xbf16>, vector<1536x64xbf16>, vector<512x1536xf32> -> vector<512x1536xf32>
    %convert_element_type3A_72 = arith.truncf %dot_general3A_71 : vector<512x1536xf32> to vector<512x1536xbf16>
    %mul3A_73 = arith.constant 1.250000e-01 : bf16
    %mul3A_74 = vector.broadcast %mul3A_73 : bf16 to vector<512x1536xbf16>
    %mul3A_75 = arith.mulf %convert_element_type3A_72, %mul3A_74 : vector<512x1536xbf16>
    %reduce_max3A_76 = arith.constant dense<0xFF80> : vector<512xbf16>
    %reduce_max3A_77 = vector.multi_reduction <maximumf>, %mul3A_75, %reduce_max3A_76 [1] : vector<512x1536xbf16> to vector<512xbf16>
    %broadcast_in_dim3A_78 = vector.shape_cast %reduce_max3A_77 : vector<512xbf16> to vector<512x1xbf16>
    %max3A_79 = arith.maximumf %broadcast_in_dim3A_66, %broadcast_in_dim3A_78 : vector<512x1xbf16>
    %sub3A_80 = vector.broadcast %max3A_79 : vector<512x1xbf16> to vector<512x1536xbf16>
    %sub3A_81 = arith.subf %mul3A_75, %sub3A_80 : vector<512x1536xbf16>
    %exp3A_82 = math.exp %sub3A_81 : vector<512x1536xbf16>
    %sub3A_83 = vector.broadcast %max3A_79 : vector<512x1xbf16> to vector<512x512xbf16>
    %sub3A_84 = arith.subf %select_n3A_63, %sub3A_83 : vector<512x512xbf16>
    %exp3A_85 = math.exp %sub3A_84 : vector<512x512xbf16>
    %convert_element_type3A_86 = arith.extf %exp3A_82 : vector<512x1536xbf16> to vector<512x1536xf32>
    %reduce_sum3A_87 = arith.constant dense<0.000000e+00> : vector<512xf32>
    %reduce_sum3A_88 = vector.multi_reduction <add>, %convert_element_type3A_86, %reduce_sum3A_87 [1] : vector<512x1536xf32> to vector<512xf32>
    %broadcast_in_dim3A_89 = vector.shape_cast %reduce_sum3A_88 : vector<512xf32> to vector<512x1xf32>
    %convert_element_type3A_90 = arith.extf %exp3A_85 : vector<512x512xbf16> to vector<512x512xf32>
    %reduce_sum3A_91 = arith.constant dense<0.000000e+00> : vector<512xf32>
    %reduce_sum3A_92 = vector.multi_reduction <add>, %convert_element_type3A_90, %reduce_sum3A_91 [1] : vector<512x512xf32> to vector<512xf32>
    %broadcast_in_dim3A_93 = vector.shape_cast %reduce_sum3A_92 : vector<512xf32> to vector<512x1xf32>
    %add3A_94 = arith.addf %broadcast_in_dim3A_89, %broadcast_in_dim3A_93 : vector<512x1xf32>
    %get3A_95 = arith.constant 0 : index
    %get3A_96 = arith.constant 64 : index
    %get3A_97 = vector.load %arg3[%get3A_95, %get3A_96] : memref<2048x128xbf16, #tpu.memory_space<vmem>>, vector<1536x64xbf16>
    %dot_general3A_98 = arith.constant dense<0.000000e+00> : vector<512x64xf32>
    %dot_general3A_99 = tpu.matmul %exp3A_82, %get3A_97, %dot_general3A_98 {dimension_numbers = #tpu.dot_dimension_numbers<[1], [0], [0], [1], [0, 0, 1, 1], [], []>, transpose_lhs_hint = false} : vector<512x1536xbf16>, vector<1536x64xbf16>, vector<512x64xf32> -> vector<512x64xf32>
    %get3A_100 = arith.constant 1536 : index
    %get3A_101 = arith.constant 64 : index
    %get3A_102 = vector.load %arg3[%get3A_100, %get3A_101] : memref<2048x128xbf16, #tpu.memory_space<vmem>>, vector<512x64xbf16>
    %dot_general3A_103 = arith.constant dense<0.000000e+00> : vector<512x64xf32>
    %dot_general3A_104 = tpu.matmul %exp3A_85, %get3A_102, %dot_general3A_103 {dimension_numbers = #tpu.dot_dimension_numbers<[1], [0], [0], [1], [0, 0, 1, 1], [], []>, transpose_lhs_hint = false} : vector<512x512xbf16>, vector<512x64xbf16>, vector<512x64xf32> -> vector<512x64xf32>
    %add3A_105 = arith.addf %dot_general3A_99, %dot_general3A_104 : vector<512x64xf32>
    %div3A_106 = arith.constant 1.000000e+00 : f32
    %div3A_107 = vector.broadcast %div3A_106 : f32 to vector<512x1xf32>
    %div3A_108 = arith.divf %div3A_107, %add3A_94 : vector<512x1xf32>
    %mul3A_109 = vector.broadcast %div3A_108 : vector<512x1xf32> to vector<512x64xf32>
    %mul3A_110 = arith.mulf %add3A_105, %mul3A_109 : vector<512x64xf32>
    %concatenate3A = tpu.concatenate %mul3A_48, %mul3A_110 in 1 : vector<512x64xf32>, vector<512x64xf32> -> vector<512x128xf32>
    %convert_element_type3A_111 = arith.truncf %concatenate3A : vector<512x128xf32> to vector<512x128xbf16>
    %swap3A = arith.constant 0 : index
    %swap3A_112 = arith.constant 0 : index
    %swap3A_113 = vector.load %arg4[%swap3A, %swap3A_112] : memref<512x128xbf16, #tpu.memory_space<vmem>>, vector<512x128xbf16>
    tpu.vector_store %arg4[%swap3A, %swap3A_112], %convert_element_type3A_111 {strides = array<i32>} : memref<512x128xbf16, #tpu.memory_space<vmem>>, vector<512x128xbf16>,
    return
  }
  func.func @transform_0(%arg0: i32) -> (i32, i32) {
    %c3_i32 = arith.constant 3 : i32
    %c0_i32 = arith.constant 0 : i32
    return %c3_i32, %arg0 : i32, i32
  }
  func.func @transform_1(%arg0: i32) -> (i32, i32) {
    %c0_i32 = arith.constant 0 : i32
    %c0_i32_0 = arith.constant 0 : i32
    return %c0_i32, %arg0 : i32, i32
  }
  func.func @transform_2(%arg0: i32) -> (i32, i32) {
    %c0_i32 = arith.constant 0 : i32
    %c0_i32_0 = arith.constant 0 : i32
    return %c0_i32, %arg0 : i32, i32
  }
  func.func @transform_3(%arg0: i32) -> (i32, i32) {
    %c0_i32 = arith.constant 0 : i32
    %c0_i32_0 = arith.constant 0 : i32
    return %c0_i32, %arg0 : i32, i32
  }
}

module attributes {stable_mosaic.version = 14 : i64} {
  func.func @_attn_chunk_body(%arg0: i32, %arg1: memref<512x128xbf16, #tpu.memory_space<vmem>>, %arg2: memref<1536x128xbf16, #tpu.memory_space<vmem>>, %arg3: memref<1536x128xbf16, #tpu.memory_space<vmem>>, %arg4: memref<512x128xbf16, #tpu.memory_space<vmem>>) attributes {dimension_semantics = [#tpu.dimension_semantics<arbitrary>], iteration_bounds = array<i64: 8>, scalar_prefetch = 0 : i64, scratch_operands = 0 : i64, tpu.core_type = #tpu.core_type<tc>, window_params = [{transform_indices = @transform_0, window_bounds = array<i64: 512, 128>}, {transform_indices = @transform_1, window_bounds = array<i64: 1536, 128>}, {transform_indices = @transform_2, window_bounds = array<i64: 1536, 128>}, {transform_indices = @transform_3, window_bounds = array<i64: 512, 128>}]} {
    %iota3A = tpu.iota {dimensions = array<i32: 0>} : vector<512x512xi32>
    %iota3A_0 = tpu.iota {dimensions = array<i32: 1>} : vector<512x512xi32>
    %le3A = arith.cmpi sle, %iota3A_0, %iota3A : vector<512x512xi32>
    %get3A = arith.constant 0 : index
    %get3A_1 = arith.constant 0 : index
    %get3A_2 = vector.load %arg1[%get3A, %get3A_1] : memref<512x128xbf16, #tpu.memory_space<vmem>>, vector<512x64xbf16>
    %get3A_3 = arith.constant 1024 : index
    %get3A_4 = arith.constant 0 : index
    %get3A_5 = vector.load %arg2[%get3A_3, %get3A_4] : memref<1536x128xbf16, #tpu.memory_space<vmem>>, vector<512x64xbf16>
    %dot_general3A = arith.constant dense<0.000000e+00> : vector<512x512xf32>
    %dot_general3A_6 = tpu.matmul %get3A_2, %get3A_5, %dot_general3A {dimension_numbers = #tpu.dot_dimension_numbers<[1], [1], [0], [0], [0, 0, 1, 0], [], []>, transpose_lhs_hint = false} : vector<512x64xbf16>, vector<512x64xbf16>, vector<512x512xf32> -> vector<512x512xf32>
    %convert_element_type3A = arith.truncf %dot_general3A_6 : vector<512x512xf32> to vector<512x512xbf16>
    %mul3A = arith.constant 1.250000e-01 : bf16
    %mul3A_7 = vector.broadcast %mul3A : bf16 to vector<512x512xbf16>
    %mul3A_8 = arith.mulf %convert_element_type3A, %mul3A_7 : vector<512x512xbf16>
    %jit3A = arith.constant -9.982440e+08 : bf16
    %broadcast_in_dim3A = vector.broadcast %jit3A : bf16 to vector<512x512xbf16>
    %select_n3A = arith.select %le3A, %mul3A_8, %broadcast_in_dim3A : vector<512x512xi1>, vector<512x512xbf16>
    %reduce_max3A = arith.constant dense<0xFF80> : vector<512xbf16>
    %reduce_max3A_9 = vector.multi_reduction <maximumf>, %select_n3A, %reduce_max3A [1] : vector<512x512xbf16> to vector<512xbf16>
    %broadcast_in_dim3A_10 = vector.shape_cast %reduce_max3A_9 : vector<512xbf16> to vector<512x1xbf16>
    %get3A_11 = arith.constant 0 : index
    %get3A_12 = arith.constant 0 : index
    %get3A_13 = vector.load %arg2[%get3A_11, %get3A_12] : memref<1536x128xbf16, #tpu.memory_space<vmem>>, vector<1024x64xbf16>
    %dot_general3A_14 = arith.constant dense<0.000000e+00> : vector<512x1024xf32>
    %dot_general3A_15 = tpu.matmul %get3A_2, %get3A_13, %dot_general3A_14 {dimension_numbers = #tpu.dot_dimension_numbers<[1], [1], [0], [0], [0, 0, 1, 0], [], []>, transpose_lhs_hint = false} : vector<512x64xbf16>, vector<1024x64xbf16>, vector<512x1024xf32> -> vector<512x1024xf32>
    %convert_element_type3A_16 = arith.truncf %dot_general3A_15 : vector<512x1024xf32> to vector<512x1024xbf16>
    %mul3A_17 = arith.constant 1.250000e-01 : bf16
    %mul3A_18 = vector.broadcast %mul3A_17 : bf16 to vector<512x1024xbf16>
    %mul3A_19 = arith.mulf %convert_element_type3A_16, %mul3A_18 : vector<512x1024xbf16>
    %reduce_max3A_20 = arith.constant dense<0xFF80> : vector<512xbf16>
    %reduce_max3A_21 = vector.multi_reduction <maximumf>, %mul3A_19, %reduce_max3A_20 [1] : vector<512x1024xbf16> to vector<512xbf16>
    %broadcast_in_dim3A_22 = vector.shape_cast %reduce_max3A_21 : vector<512xbf16> to vector<512x1xbf16>
    %max3A = arith.maximumf %broadcast_in_dim3A_10, %broadcast_in_dim3A_22 : vector<512x1xbf16>
    %sub3A = vector.broadcast %max3A : vector<512x1xbf16> to vector<512x1024xbf16>
    %sub3A_23 = arith.subf %mul3A_19, %sub3A : vector<512x1024xbf16>
    %exp3A = math.exp %sub3A_23 : vector<512x1024xbf16>
    %sub3A_24 = vector.broadcast %max3A : vector<512x1xbf16> to vector<512x512xbf16>
    %sub3A_25 = arith.subf %select_n3A, %sub3A_24 : vector<512x512xbf16>
    %exp3A_26 = math.exp %sub3A_25 : vector<512x512xbf16>
    %convert_element_type3A_27 = arith.extf %exp3A : vector<512x1024xbf16> to vector<512x1024xf32>
    %reduce_sum3A = arith.constant dense<0.000000e+00> : vector<512xf32>
    %reduce_sum3A_28 = vector.multi_reduction <add>, %convert_element_type3A_27, %reduce_sum3A [1] : vector<512x1024xf32> to vector<512xf32>
    %broadcast_in_dim3A_29 = vector.shape_cast %reduce_sum3A_28 : vector<512xf32> to vector<512x1xf32>
    %convert_element_type3A_30 = arith.extf %exp3A_26 : vector<512x512xbf16> to vector<512x512xf32>
    %reduce_sum3A_31 = arith.constant dense<0.000000e+00> : vector<512xf32>
    %reduce_sum3A_32 = vector.multi_reduction <add>, %convert_element_type3A_30, %reduce_sum3A_31 [1] : vector<512x512xf32> to vector<512xf32>
    %broadcast_in_dim3A_33 = vector.shape_cast %reduce_sum3A_32 : vector<512xf32> to vector<512x1xf32>
    %add3A = arith.addf %broadcast_in_dim3A_29, %broadcast_in_dim3A_33 : vector<512x1xf32>
    %get3A_34 = arith.constant 0 : index
    %get3A_35 = arith.constant 0 : index
    %get3A_36 = vector.load %arg3[%get3A_34, %get3A_35] : memref<1536x128xbf16, #tpu.memory_space<vmem>>, vector<1024x64xbf16>
    %dot_general3A_37 = arith.constant dense<0.000000e+00> : vector<512x64xf32>
    %dot_general3A_38 = tpu.matmul %exp3A, %get3A_36, %dot_general3A_37 {dimension_numbers = #tpu.dot_dimension_numbers<[1], [0], [0], [1], [0, 0, 1, 1], [], []>, transpose_lhs_hint = false} : vector<512x1024xbf16>, vector<1024x64xbf16>, vector<512x64xf32> -> vector<512x64xf32>
    %get3A_39 = arith.constant 1024 : index
    %get3A_40 = arith.constant 0 : index
    %get3A_41 = vector.load %arg3[%get3A_39, %get3A_40] : memref<1536x128xbf16, #tpu.memory_space<vmem>>, vector<512x64xbf16>
    %dot_general3A_42 = arith.constant dense<0.000000e+00> : vector<512x64xf32>
    %dot_general3A_43 = tpu.matmul %exp3A_26, %get3A_41, %dot_general3A_42 {dimension_numbers = #tpu.dot_dimension_numbers<[1], [0], [0], [1], [0, 0, 1, 1], [], []>, transpose_lhs_hint = false} : vector<512x512xbf16>, vector<512x64xbf16>, vector<512x64xf32> -> vector<512x64xf32>
    %add3A_44 = arith.addf %dot_general3A_38, %dot_general3A_43 : vector<512x64xf32>
    %div3A = arith.constant 1.000000e+00 : f32
    %div3A_45 = vector.broadcast %div3A : f32 to vector<512x1xf32>
    %div3A_46 = arith.divf %div3A_45, %add3A : vector<512x1xf32>
    %mul3A_47 = vector.broadcast %div3A_46 : vector<512x1xf32> to vector<512x64xf32>
    %mul3A_48 = arith.mulf %add3A_44, %mul3A_47 : vector<512x64xf32>
    %get3A_49 = arith.constant 0 : index
    %get3A_50 = arith.constant 64 : index
    %get3A_51 = vector.load %arg1[%get3A_49, %get3A_50] : memref<512x128xbf16, #tpu.memory_space<vmem>>, vector<512x64xbf16>
    %get3A_52 = arith.constant 1024 : index
    %get3A_53 = arith.constant 64 : index
    %get3A_54 = vector.load %arg2[%get3A_52, %get3A_53] : memref<1536x128xbf16, #tpu.memory_space<vmem>>, vector<512x64xbf16>
    %dot_general3A_55 = arith.constant dense<0.000000e+00> : vector<512x512xf32>
    %dot_general3A_56 = tpu.matmul %get3A_51, %get3A_54, %dot_general3A_55 {dimension_numbers = #tpu.dot_dimension_numbers<[1], [1], [0], [0], [0, 0, 1, 0], [], []>, transpose_lhs_hint = false} : vector<512x64xbf16>, vector<512x64xbf16>, vector<512x512xf32> -> vector<512x512xf32>
    %convert_element_type3A_57 = arith.truncf %dot_general3A_56 : vector<512x512xf32> to vector<512x512xbf16>
    %mul3A_58 = arith.constant 1.250000e-01 : bf16
    %mul3A_59 = vector.broadcast %mul3A_58 : bf16 to vector<512x512xbf16>
    %mul3A_60 = arith.mulf %convert_element_type3A_57, %mul3A_59 : vector<512x512xbf16>
    %jit3A_61 = arith.constant -9.982440e+08 : bf16
    %broadcast_in_dim3A_62 = vector.broadcast %jit3A_61 : bf16 to vector<512x512xbf16>
    %select_n3A_63 = arith.select %le3A, %mul3A_60, %broadcast_in_dim3A_62 : vector<512x512xi1>, vector<512x512xbf16>
    %reduce_max3A_64 = arith.constant dense<0xFF80> : vector<512xbf16>
    %reduce_max3A_65 = vector.multi_reduction <maximumf>, %select_n3A_63, %reduce_max3A_64 [1] : vector<512x512xbf16> to vector<512xbf16>
    %broadcast_in_dim3A_66 = vector.shape_cast %reduce_max3A_65 : vector<512xbf16> to vector<512x1xbf16>
    %get3A_67 = arith.constant 0 : index
    %get3A_68 = arith.constant 64 : index
    %get3A_69 = vector.load %arg2[%get3A_67, %get3A_68] : memref<1536x128xbf16, #tpu.memory_space<vmem>>, vector<1024x64xbf16>
    %dot_general3A_70 = arith.constant dense<0.000000e+00> : vector<512x1024xf32>
    %dot_general3A_71 = tpu.matmul %get3A_51, %get3A_69, %dot_general3A_70 {dimension_numbers = #tpu.dot_dimension_numbers<[1], [1], [0], [0], [0, 0, 1, 0], [], []>, transpose_lhs_hint = false} : vector<512x64xbf16>, vector<1024x64xbf16>, vector<512x1024xf32> -> vector<512x1024xf32>
    %convert_element_type3A_72 = arith.truncf %dot_general3A_71 : vector<512x1024xf32> to vector<512x1024xbf16>
    %mul3A_73 = arith.constant 1.250000e-01 : bf16
    %mul3A_74 = vector.broadcast %mul3A_73 : bf16 to vector<512x1024xbf16>
    %mul3A_75 = arith.mulf %convert_element_type3A_72, %mul3A_74 : vector<512x1024xbf16>
    %reduce_max3A_76 = arith.constant dense<0xFF80> : vector<512xbf16>
    %reduce_max3A_77 = vector.multi_reduction <maximumf>, %mul3A_75, %reduce_max3A_76 [1] : vector<512x1024xbf16> to vector<512xbf16>
    %broadcast_in_dim3A_78 = vector.shape_cast %reduce_max3A_77 : vector<512xbf16> to vector<512x1xbf16>
    %max3A_79 = arith.maximumf %broadcast_in_dim3A_66, %broadcast_in_dim3A_78 : vector<512x1xbf16>
    %sub3A_80 = vector.broadcast %max3A_79 : vector<512x1xbf16> to vector<512x1024xbf16>
    %sub3A_81 = arith.subf %mul3A_75, %sub3A_80 : vector<512x1024xbf16>
    %exp3A_82 = math.exp %sub3A_81 : vector<512x1024xbf16>
    %sub3A_83 = vector.broadcast %max3A_79 : vector<512x1xbf16> to vector<512x512xbf16>
    %sub3A_84 = arith.subf %select_n3A_63, %sub3A_83 : vector<512x512xbf16>
    %exp3A_85 = math.exp %sub3A_84 : vector<512x512xbf16>
    %convert_element_type3A_86 = arith.extf %exp3A_82 : vector<512x1024xbf16> to vector<512x1024xf32>
    %reduce_sum3A_87 = arith.constant dense<0.000000e+00> : vector<512xf32>
    %reduce_sum3A_88 = vector.multi_reduction <add>, %convert_element_type3A_86, %reduce_sum3A_87 [1] : vector<512x1024xf32> to vector<512xf32>
    %broadcast_in_dim3A_89 = vector.shape_cast %reduce_sum3A_88 : vector<512xf32> to vector<512x1xf32>
    %convert_element_type3A_90 = arith.extf %exp3A_85 : vector<512x512xbf16> to vector<512x512xf32>
    %reduce_sum3A_91 = arith.constant dense<0.000000e+00> : vector<512xf32>
    %reduce_sum3A_92 = vector.multi_reduction <add>, %convert_element_type3A_90, %reduce_sum3A_91 [1] : vector<512x512xf32> to vector<512xf32>
    %broadcast_in_dim3A_93 = vector.shape_cast %reduce_sum3A_92 : vector<512xf32> to vector<512x1xf32>
    %add3A_94 = arith.addf %broadcast_in_dim3A_89, %broadcast_in_dim3A_93 : vector<512x1xf32>
    %get3A_95 = arith.constant 0 : index
    %get3A_96 = arith.constant 64 : index
    %get3A_97 = vector.load %arg3[%get3A_95, %get3A_96] : memref<1536x128xbf16, #tpu.memory_space<vmem>>, vector<1024x64xbf16>
    %dot_general3A_98 = arith.constant dense<0.000000e+00> : vector<512x64xf32>
    %dot_general3A_99 = tpu.matmul %exp3A_82, %get3A_97, %dot_general3A_98 {dimension_numbers = #tpu.dot_dimension_numbers<[1], [0], [0], [1], [0, 0, 1, 1], [], []>, transpose_lhs_hint = false} : vector<512x1024xbf16>, vector<1024x64xbf16>, vector<512x64xf32> -> vector<512x64xf32>
    %get3A_100 = arith.constant 1024 : index
    %get3A_101 = arith.constant 64 : index
    %get3A_102 = vector.load %arg3[%get3A_100, %get3A_101] : memref<1536x128xbf16, #tpu.memory_space<vmem>>, vector<512x64xbf16>
    %dot_general3A_103 = arith.constant dense<0.000000e+00> : vector<512x64xf32>
    %dot_general3A_104 = tpu.matmul %exp3A_85, %get3A_102, %dot_general3A_103 {dimension_numbers = #tpu.dot_dimension_numbers<[1], [0], [0], [1], [0, 0, 1, 1], [], []>, transpose_lhs_hint = false} : vector<512x512xbf16>, vector<512x64xbf16>, vector<512x64xf32> -> vector<512x64xf32>
    %add3A_105 = arith.addf %dot_general3A_99, %dot_general3A_104 : vector<512x64xf32>
    %div3A_106 = arith.constant 1.000000e+00 : f32
    %div3A_107 = vector.broadcast %div3A_106 : f32 to vector<512x1xf32>
    %div3A_108 = arith.divf %div3A_107, %add3A_94 : vector<512x1xf32>
    %mul3A_109 = vector.broadcast %div3A_108 : vector<512x1xf32> to vector<512x64xf32>
    %mul3A_110 = arith.mulf %add3A_105, %mul3A_109 : vector<512x64xf32>
    %concatenate3A = tpu.concatenate %mul3A_48, %mul3A_110 in 1 : vector<512x64xf32>, vector<512x64xf32> -> vector<512x128xf32>
    %convert_element_type3A_111 = arith.truncf %concatenate3A : vector<512x128xf32> to vector<512x128xbf16>
    %swap3A = arith.constant 0 : index
    %swap3A_112 = arith.constant 0 : index
    %swap3A_113 = vector.load %arg4[%swap3A, %swap3A_112] : memref<512x128xbf16, #tpu.memory_space<vmem>>, vector<512x128xbf16>
    tpu.vector_store %arg4[%swap3A, %swap3A_112], %convert_element_type3A_111 {strides = array<i32>} : memref<512x128xbf16, #tpu.memory_space<vmem>>, vector<512x128xbf16>,
    return
  }
  func.func @transform_0(%arg0: i32) -> (i32, i32) {
    %c2_i32 = arith.constant 2 : i32
    %c0_i32 = arith.constant 0 : i32
    return %c2_i32, %arg0 : i32, i32
  }
  func.func @transform_1(%arg0: i32) -> (i32, i32) {
    %c0_i32 = arith.constant 0 : i32
    %c0_i32_0 = arith.constant 0 : i32
    return %c0_i32, %arg0 : i32, i32
  }
  func.func @transform_2(%arg0: i32) -> (i32, i32) {
    %c0_i32 = arith.constant 0 : i32
    %c0_i32_0 = arith.constant 0 : i32
    return %c0_i32, %arg0 : i32, i32
  }
  func.func @transform_3(%arg0: i32) -> (i32, i32) {
    %c0_i32 = arith.constant 0 : i32
    %c0_i32_0 = arith.constant 0 : i32
    return %c0_i32, %arg0 : i32, i32
  }
}

module attributes {stable_mosaic.version = 14 : i64} {
  func.func @_preattn_body(%arg0: i32, %arg1: memref<256x1024xf32, #tpu.memory_space<vmem>>, %arg2: memref<1x1024xf32, #tpu.memory_space<vmem>>, %arg3: memref<1024x1024xf32, #tpu.memory_space<vmem>>, %arg4: memref<1024x512xf32, #tpu.memory_space<vmem>>, %arg5: memref<1024x256xf32, #tpu.memory_space<vmem>>, %arg6: memref<1024x256xf32, #tpu.memory_space<vmem>>, %arg7: memref<256x1024xbf16, #tpu.memory_space<vmem>>, %arg8: memref<256x1024xbf16, #tpu.memory_space<vmem>>, %arg9: memref<256x1024xbf16, #tpu.memory_space<vmem>>) attributes {dimension_semantics = [#tpu.dimension_semantics<arbitrary>], iteration_bounds = array<i64: 8>, scalar_prefetch = 0 : i64, scratch_operands = 0 : i64, tpu.core_type = #tpu.core_type<tc>, window_params = [{transform_indices = @transform_0, window_bounds = array<i64: 256, 1024>}, {pipeline_mode = #tpu.pipeline_mode<synchronous>, transform_indices = @transform_1, window_bounds = array<i64: 1, 1024>}, {pipeline_mode = #tpu.pipeline_mode<synchronous>, transform_indices = @transform_2, window_bounds = array<i64: 1024, 1024>}, {pipeline_mode = #tpu.pipeline_mode<synchronous>, transform_indices = @transform_3, window_bounds = array<i64: 1024, 512>}, {pipeline_mode = #tpu.pipeline_mode<synchronous>, transform_indices = @transform_4, window_bounds = array<i64: 1024, 256>}, {pipeline_mode = #tpu.pipeline_mode<synchronous>, transform_indices = @transform_5, window_bounds = array<i64: 1024, 256>}, {transform_indices = @transform_6, window_bounds = array<i64: 256, 1024>}, {transform_indices = @transform_7, window_bounds = array<i64: 256, 1024>}, {transform_indices = @transform_8, window_bounds = array<i64: 256, 1024>}]} {
    %get3A = arith.constant 0 : index
    %get3A_0 = arith.constant 0 : index
    %get3A_1 = vector.load %arg1[%get3A, %get3A_0] : memref<256x1024xf32, #tpu.memory_space<vmem>>, vector<256x1024xf32>
    %mul3A = arith.mulf %get3A_1, %get3A_1 : vector<256x1024xf32>
    %reduce_sum3A = arith.constant dense<0.000000e+00> : vector<256xf32>
    %reduce_sum3A_2 = vector.multi_reduction <add>, %mul3A, %reduce_sum3A [1] : vector<256x1024xf32> to vector<256xf32>
    %broadcast_in_dim3A = vector.shape_cast %reduce_sum3A_2 : vector<256xf32> to vector<256x1xf32>
    %div3A = arith.constant 1.024000e+03 : f32
    %div3A_3 = vector.broadcast %div3A : f32 to vector<256x1xf32>
    %div3A_4 = arith.divf %broadcast_in_dim3A, %div3A_3 : vector<256x1xf32>
    %add3A = arith.constant 9.99999997E-7 : f32
    %add3A_5 = vector.broadcast %add3A : f32 to vector<256x1xf32>
    %add3A_6 = arith.addf %div3A_4, %add3A_5 : vector<256x1xf32>
    %rsqrt3A = math.rsqrt %add3A_6 : vector<256x1xf32>
    %mul3A_7 = vector.broadcast %rsqrt3A : vector<256x1xf32> to vector<256x1024xf32>
    %mul3A_8 = arith.mulf %get3A_1, %mul3A_7 : vector<256x1024xf32>
    %get3A_9 = arith.constant 0 : index
    %get3A_10 = arith.constant 0 : index
    %get3A_11 = vector.load %arg2[%get3A_9, %get3A_10] : memref<1x1024xf32, #tpu.memory_space<vmem>>, vector<1x1024xf32>
    %mul3A_12 = vector.broadcast %get3A_11 : vector<1x1024xf32> to vector<256x1024xf32>
    %mul3A_13 = arith.mulf %mul3A_8, %mul3A_12 : vector<256x1024xf32>
    %get3A_14 = arith.constant 0 : index
    %get3A_15 = arith.constant 0 : index
    %get3A_16 = vector.load %arg3[%get3A_14, %get3A_15] : memref<1024x1024xf32, #tpu.memory_space<vmem>>, vector<1024x1024xf32>
    %convert_element_type3A = arith.truncf %mul3A_13 : vector<256x1024xf32> to vector<256x1024xbf16>
    %convert_element_type3A_17 = arith.truncf %get3A_16 : vector<1024x1024xf32> to vector<1024x1024xbf16>
    %dot_general3A = arith.constant dense<0.000000e+00> : vector<256x1024xf32>
    %dot_general3A_18 = tpu.matmul %convert_element_type3A, %convert_element_type3A_17, %dot_general3A {dimension_numbers = #tpu.dot_dimension_numbers<[1], [1], [0], [0], [0, 0, 1, 0], [], []>, transpose_lhs_hint = false} : vector<256x1024xbf16>, vector<1024x1024xbf16>, vector<256x1024xf32> -> vector<256x1024xf32>
    %slice3A = vector.extract_strided_slice %dot_general3A_18 {offsets = [0, 0], sizes = [256, 512], strides = [1, 1]} : vector<256x1024xf32> to vector<256x512xf32>
    %get3A_19 = arith.constant 0 : index
    %get3A_20 = arith.constant 0 : index
    %get3A_21 = vector.load %arg4[%get3A_19, %get3A_20] : memref<1024x512xf32, #tpu.memory_space<vmem>>, vector<1024x512xf32>
    %convert_element_type3A_22 = arith.truncf %slice3A : vector<256x512xf32> to vector<256x512xbf16>
    %convert_element_type3A_23 = arith.truncf %get3A_21 : vector<1024x512xf32> to vector<1024x512xbf16>
    %dot_general3A_24 = arith.constant dense<0.000000e+00> : vector<256x1024xf32>
    %dot_general3A_25 = tpu.matmul %convert_element_type3A_22, %convert_element_type3A_23, %dot_general3A_24 {dimension_numbers = #tpu.dot_dimension_numbers<[1], [1], [0], [0], [0, 0, 1, 0], [], []>, transpose_lhs_hint = false} : vector<256x512xbf16>, vector<1024x512xbf16>, vector<256x1024xf32> -> vector<256x1024xf32>
    %convert_element_type3A_26 = arith.truncf %dot_general3A_25 : vector<256x1024xf32> to vector<256x1024xbf16>
    %swap3A = arith.constant 0 : index
    %swap3A_27 = arith.constant 0 : index
    %swap3A_28 = vector.load %arg7[%swap3A, %swap3A_27] : memref<256x1024xbf16, #tpu.memory_space<vmem>>, vector<256x1024xbf16>
    tpu.vector_store %arg7[%swap3A, %swap3A_27], %convert_element_type3A_26 {strides = array<i32>} : memref<256x1024xbf16, #tpu.memory_space<vmem>>, vector<256x1024xbf16>,
    %slice3A_29 = vector.extract_strided_slice %dot_general3A_18 {offsets = [0, 512], sizes = [256, 256], strides = [1, 1]} : vector<256x1024xf32> to vector<256x256xf32>
    %get3A_30 = arith.constant 0 : index
    %get3A_31 = arith.constant 0 : index
    %get3A_32 = vector.load %arg5[%get3A_30, %get3A_31] : memref<1024x256xf32, #tpu.memory_space<vmem>>, vector<1024x256xf32>
    %convert_element_type3A_33 = arith.truncf %slice3A_29 : vector<256x256xf32> to vector<256x256xbf16>
    %convert_element_type3A_34 = arith.truncf %get3A_32 : vector<1024x256xf32> to vector<1024x256xbf16>
    %dot_general3A_35 = arith.constant dense<0.000000e+00> : vector<256x1024xf32>
    %dot_general3A_36 = tpu.matmul %convert_element_type3A_33, %convert_element_type3A_34, %dot_general3A_35 {dimension_numbers = #tpu.dot_dimension_numbers<[1], [1], [0], [0], [0, 0, 1, 0], [], []>, transpose_lhs_hint = false} : vector<256x256xbf16>, vector<1024x256xbf16>, vector<256x1024xf32> -> vector<256x1024xf32>
    %convert_element_type3A_37 = arith.truncf %dot_general3A_36 : vector<256x1024xf32> to vector<256x1024xbf16>
    %swap3A_38 = arith.constant 0 : index
    %swap3A_39 = arith.constant 0 : index
    %swap3A_40 = vector.load %arg8[%swap3A_38, %swap3A_39] : memref<256x1024xbf16, #tpu.memory_space<vmem>>, vector<256x1024xbf16>
    tpu.vector_store %arg8[%swap3A_38, %swap3A_39], %convert_element_type3A_37 {strides = array<i32>} : memref<256x1024xbf16, #tpu.memory_space<vmem>>, vector<256x1024xbf16>,
    %slice3A_41 = vector.extract_strided_slice %dot_general3A_18 {offsets = [0, 768], sizes = [256, 256], strides = [1, 1]} : vector<256x1024xf32> to vector<256x256xf32>
    %get3A_42 = arith.constant 0 : index
    %get3A_43 = arith.constant 0 : index
    %get3A_44 = vector.load %arg6[%get3A_42, %get3A_43] : memref<1024x256xf32, #tpu.memory_space<vmem>>, vector<1024x256xf32>
    %convert_element_type3A_45 = arith.truncf %slice3A_41 : vector<256x256xf32> to vector<256x256xbf16>
    %convert_element_type3A_46 = arith.truncf %get3A_44 : vector<1024x256xf32> to vector<1024x256xbf16>
    %dot_general3A_47 = arith.constant dense<0.000000e+00> : vector<256x1024xf32>
    %dot_general3A_48 = tpu.matmul %convert_element_type3A_45, %convert_element_type3A_46, %dot_general3A_47 {dimension_numbers = #tpu.dot_dimension_numbers<[1], [1], [0], [0], [0, 0, 1, 0], [], []>, transpose_lhs_hint = false} : vector<256x256xbf16>, vector<1024x256xbf16>, vector<256x1024xf32> -> vector<256x1024xf32>
    %convert_element_type3A_49 = arith.truncf %dot_general3A_48 : vector<256x1024xf32> to vector<256x1024xbf16>
    %swap3A_50 = arith.constant 0 : index
    %swap3A_51 = arith.constant 0 : index
    %swap3A_52 = vector.load %arg9[%swap3A_50, %swap3A_51] : memref<256x1024xbf16, #tpu.memory_space<vmem>>, vector<256x1024xbf16>
    tpu.vector_store %arg9[%swap3A_50, %swap3A_51], %convert_element_type3A_49 {strides = array<i32>} : memref<256x1024xbf16, #tpu.memory_space<vmem>>, vector<256x1024xbf16>,
    return
  }
  func.func @transform_0(%arg0: i32) -> (i32, i32) {
    %c0_i32 = arith.constant 0 : i32
    %c0_i32_0 = arith.constant 0 : i32
    return %arg0, %c0_i32 : i32, i32
  }
  func.func @transform_1(%arg0: i32) -> (i32, i32) {
    %c0_i32 = arith.constant 0 : i32
    %c0_i32_0 = arith.constant 0 : i32
    %c0_i32_1 = arith.constant 0 : i32
    return %c0_i32, %c0_i32_0 : i32, i32
  }
  func.func @transform_2(%arg0: i32) -> (i32, i32) {
    %c0_i32 = arith.constant 0 : i32
    %c0_i32_0 = arith.constant 0 : i32
    %c0_i32_1 = arith.constant 0 : i32
    return %c0_i32, %c0_i32_0 : i32, i32
  }
  func.func @transform_3(%arg0: i32) -> (i32, i32) {
    %c0_i32 = arith.constant 0 : i32
    %c0_i32_0 = arith.constant 0 : i32
    %c0_i32_1 = arith.constant 0 : i32
    return %c0_i32, %c0_i32_0 : i32, i32
  }
  func.func @transform_4(%arg0: i32) -> (i32, i32) {
    %c0_i32 = arith.constant 0 : i32
    %c0_i32_0 = arith.constant 0 : i32
    %c0_i32_1 = arith.constant 0 : i32
    return %c0_i32, %c0_i32_0 : i32, i32
  }
  func.func @transform_5(%arg0: i32) -> (i32, i32) {
    %c0_i32 = arith.constant 0 : i32
    %c0_i32_0 = arith.constant 0 : i32
    %c0_i32_1 = arith.constant 0 : i32
    return %c0_i32, %c0_i32_0 : i32, i32
  }
  func.func @transform_6(%arg0: i32) -> (i32, i32) {
    %c0_i32 = arith.constant 0 : i32
    %c0_i32_0 = arith.constant 0 : i32
    return %arg0, %c0_i32 : i32, i32
  }
  func.func @transform_7(%arg0: i32) -> (i32, i32) {
    %c0_i32 = arith.constant 0 : i32
    %c0_i32_0 = arith.constant 0 : i32
    return %arg0, %c0_i32 : i32, i32
  }
  func.func @transform_8(%arg0: i32) -> (i32, i32) {
    %c0_i32 = arith.constant 0 : i32
    %c0_i32_0 = arith.constant 0 : i32
    return %arg0, %c0_i32 : i32, i32
  }
}

module attributes {stable_mosaic.version = 14 : i64} {
  func.func @_attn_chunk_body(%arg0: i32, %arg1: memref<512x128xbf16, #tpu.memory_space<vmem>>, %arg2: memref<512x128xbf16, #tpu.memory_space<vmem>>, %arg3: memref<512x128xbf16, #tpu.memory_space<vmem>>, %arg4: memref<512x128xbf16, #tpu.memory_space<vmem>>) attributes {dimension_semantics = [#tpu.dimension_semantics<arbitrary>], iteration_bounds = array<i64: 8>, scalar_prefetch = 0 : i64, scratch_operands = 0 : i64, tpu.core_type = #tpu.core_type<tc>, window_params = [{transform_indices = @transform_0, window_bounds = array<i64: 512, 128>}, {transform_indices = @transform_1, window_bounds = array<i64: 512, 128>}, {transform_indices = @transform_2, window_bounds = array<i64: 512, 128>}, {transform_indices = @transform_3, window_bounds = array<i64: 512, 128>}]} {
    %iota3A = tpu.iota {dimensions = array<i32: 0>} : vector<512x512xi32>
    %iota3A_0 = tpu.iota {dimensions = array<i32: 1>} : vector<512x512xi32>
    %le3A = arith.cmpi sle, %iota3A_0, %iota3A : vector<512x512xi32>
    %get3A = arith.constant 0 : index
    %get3A_1 = arith.constant 0 : index
    %get3A_2 = vector.load %arg1[%get3A, %get3A_1] : memref<512x128xbf16, #tpu.memory_space<vmem>>, vector<512x64xbf16>
    %get3A_3 = arith.constant 0 : index
    %get3A_4 = arith.constant 0 : index
    %get3A_5 = vector.load %arg2[%get3A_3, %get3A_4] : memref<512x128xbf16, #tpu.memory_space<vmem>>, vector<512x64xbf16>
    %dot_general3A = arith.constant dense<0.000000e+00> : vector<512x512xf32>
    %dot_general3A_6 = tpu.matmul %get3A_2, %get3A_5, %dot_general3A {dimension_numbers = #tpu.dot_dimension_numbers<[1], [1], [0], [0], [0, 0, 1, 0], [], []>, transpose_lhs_hint = false} : vector<512x64xbf16>, vector<512x64xbf16>, vector<512x512xf32> -> vector<512x512xf32>
    %convert_element_type3A = arith.truncf %dot_general3A_6 : vector<512x512xf32> to vector<512x512xbf16>
    %mul3A = arith.constant 1.250000e-01 : bf16
    %mul3A_7 = vector.broadcast %mul3A : bf16 to vector<512x512xbf16>
    %mul3A_8 = arith.mulf %convert_element_type3A, %mul3A_7 : vector<512x512xbf16>
    %jit3A = arith.constant -9.982440e+08 : bf16
    %broadcast_in_dim3A = vector.broadcast %jit3A : bf16 to vector<512x512xbf16>
    %select_n3A = arith.select %le3A, %mul3A_8, %broadcast_in_dim3A : vector<512x512xi1>, vector<512x512xbf16>
    %reduce_max3A = arith.constant dense<0xFF80> : vector<512xbf16>
    %reduce_max3A_9 = vector.multi_reduction <maximumf>, %select_n3A, %reduce_max3A [1] : vector<512x512xbf16> to vector<512xbf16>
    %broadcast_in_dim3A_10 = vector.shape_cast %reduce_max3A_9 : vector<512xbf16> to vector<512x1xbf16>
    %sub3A = vector.broadcast %broadcast_in_dim3A_10 : vector<512x1xbf16> to vector<512x512xbf16>
    %sub3A_11 = arith.subf %select_n3A, %sub3A : vector<512x512xbf16>
    %exp3A = math.exp %sub3A_11 : vector<512x512xbf16>
    %convert_element_type3A_12 = arith.extf %exp3A : vector<512x512xbf16> to vector<512x512xf32>
    %reduce_sum3A = arith.constant dense<0.000000e+00> : vector<512xf32>
    %reduce_sum3A_13 = vector.multi_reduction <add>, %convert_element_type3A_12, %reduce_sum3A [1] : vector<512x512xf32> to vector<512xf32>
    %broadcast_in_dim3A_14 = vector.shape_cast %reduce_sum3A_13 : vector<512xf32> to vector<512x1xf32>
    %get3A_15 = arith.constant 0 : index
    %get3A_16 = arith.constant 0 : index
    %get3A_17 = vector.load %arg3[%get3A_15, %get3A_16] : memref<512x128xbf16, #tpu.memory_space<vmem>>, vector<512x64xbf16>
    %dot_general3A_18 = arith.constant dense<0.000000e+00> : vector<512x64xf32>
    %dot_general3A_19 = tpu.matmul %exp3A, %get3A_17, %dot_general3A_18 {dimension_numbers = #tpu.dot_dimension_numbers<[1], [0], [0], [1], [0, 0, 1, 1], [], []>, transpose_lhs_hint = false} : vector<512x512xbf16>, vector<512x64xbf16>, vector<512x64xf32> -> vector<512x64xf32>
    %div3A = arith.constant 1.000000e+00 : f32
    %div3A_20 = vector.broadcast %div3A : f32 to vector<512x1xf32>
    %div3A_21 = arith.divf %div3A_20, %broadcast_in_dim3A_14 : vector<512x1xf32>
    %mul3A_22 = vector.broadcast %div3A_21 : vector<512x1xf32> to vector<512x64xf32>
    %mul3A_23 = arith.mulf %dot_general3A_19, %mul3A_22 : vector<512x64xf32>
    %get3A_24 = arith.constant 0 : index
    %get3A_25 = arith.constant 64 : index
    %get3A_26 = vector.load %arg1[%get3A_24, %get3A_25] : memref<512x128xbf16, #tpu.memory_space<vmem>>, vector<512x64xbf16>
    %get3A_27 = arith.constant 0 : index
    %get3A_28 = arith.constant 64 : index
    %get3A_29 = vector.load %arg2[%get3A_27, %get3A_28] : memref<512x128xbf16, #tpu.memory_space<vmem>>, vector<512x64xbf16>
    %dot_general3A_30 = arith.constant dense<0.000000e+00> : vector<512x512xf32>
    %dot_general3A_31 = tpu.matmul %get3A_26, %get3A_29, %dot_general3A_30 {dimension_numbers = #tpu.dot_dimension_numbers<[1], [1], [0], [0], [0, 0, 1, 0], [], []>, transpose_lhs_hint = false} : vector<512x64xbf16>, vector<512x64xbf16>, vector<512x512xf32> -> vector<512x512xf32>
    %convert_element_type3A_32 = arith.truncf %dot_general3A_31 : vector<512x512xf32> to vector<512x512xbf16>
    %mul3A_33 = arith.constant 1.250000e-01 : bf16
    %mul3A_34 = vector.broadcast %mul3A_33 : bf16 to vector<512x512xbf16>
    %mul3A_35 = arith.mulf %convert_element_type3A_32, %mul3A_34 : vector<512x512xbf16>
    %jit3A_36 = arith.constant -9.982440e+08 : bf16
    %broadcast_in_dim3A_37 = vector.broadcast %jit3A_36 : bf16 to vector<512x512xbf16>
    %select_n3A_38 = arith.select %le3A, %mul3A_35, %broadcast_in_dim3A_37 : vector<512x512xi1>, vector<512x512xbf16>
    %reduce_max3A_39 = arith.constant dense<0xFF80> : vector<512xbf16>
    %reduce_max3A_40 = vector.multi_reduction <maximumf>, %select_n3A_38, %reduce_max3A_39 [1] : vector<512x512xbf16> to vector<512xbf16>
    %broadcast_in_dim3A_41 = vector.shape_cast %reduce_max3A_40 : vector<512xbf16> to vector<512x1xbf16>
    %sub3A_42 = vector.broadcast %broadcast_in_dim3A_41 : vector<512x1xbf16> to vector<512x512xbf16>
    %sub3A_43 = arith.subf %select_n3A_38, %sub3A_42 : vector<512x512xbf16>
    %exp3A_44 = math.exp %sub3A_43 : vector<512x512xbf16>
    %convert_element_type3A_45 = arith.extf %exp3A_44 : vector<512x512xbf16> to vector<512x512xf32>
    %reduce_sum3A_46 = arith.constant dense<0.000000e+00> : vector<512xf32>
    %reduce_sum3A_47 = vector.multi_reduction <add>, %convert_element_type3A_45, %reduce_sum3A_46 [1] : vector<512x512xf32> to vector<512xf32>
    %broadcast_in_dim3A_48 = vector.shape_cast %reduce_sum3A_47 : vector<512xf32> to vector<512x1xf32>
    %get3A_49 = arith.constant 0 : index
    %get3A_50 = arith.constant 64 : index
    %get3A_51 = vector.load %arg3[%get3A_49, %get3A_50] : memref<512x128xbf16, #tpu.memory_space<vmem>>, vector<512x64xbf16>
    %dot_general3A_52 = arith.constant dense<0.000000e+00> : vector<512x64xf32>
    %dot_general3A_53 = tpu.matmul %exp3A_44, %get3A_51, %dot_general3A_52 {dimension_numbers = #tpu.dot_dimension_numbers<[1], [0], [0], [1], [0, 0, 1, 1], [], []>, transpose_lhs_hint = false} : vector<512x512xbf16>, vector<512x64xbf16>, vector<512x64xf32> -> vector<512x64xf32>
    %div3A_54 = arith.constant 1.000000e+00 : f32
    %div3A_55 = vector.broadcast %div3A_54 : f32 to vector<512x1xf32>
    %div3A_56 = arith.divf %div3A_55, %broadcast_in_dim3A_48 : vector<512x1xf32>
    %mul3A_57 = vector.broadcast %div3A_56 : vector<512x1xf32> to vector<512x64xf32>
    %mul3A_58 = arith.mulf %dot_general3A_53, %mul3A_57 : vector<512x64xf32>
    %concatenate3A = tpu.concatenate %mul3A_23, %mul3A_58 in 1 : vector<512x64xf32>, vector<512x64xf32> -> vector<512x128xf32>
    %convert_element_type3A_59 = arith.truncf %concatenate3A : vector<512x128xf32> to vector<512x128xbf16>
    %swap3A = arith.constant 0 : index
    %swap3A_60 = arith.constant 0 : index
    %swap3A_61 = vector.load %arg4[%swap3A, %swap3A_60] : memref<512x128xbf16, #tpu.memory_space<vmem>>, vector<512x128xbf16>
    tpu.vector_store %arg4[%swap3A, %swap3A_60], %convert_element_type3A_59 {strides = array<i32>} : memref<512x128xbf16, #tpu.memory_space<vmem>>, vector<512x128xbf16>,
    return
  }
  func.func @transform_0(%arg0: i32) -> (i32, i32) {
    %c0_i32 = arith.constant 0 : i32
    %c0_i32_0 = arith.constant 0 : i32
    return %c0_i32, %arg0 : i32, i32
  }
  func.func @transform_1(%arg0: i32) -> (i32, i32) {
    %c0_i32 = arith.constant 0 : i32
    %c0_i32_0 = arith.constant 0 : i32
    return %c0_i32, %arg0 : i32, i32
  }
  func.func @transform_2(%arg0: i32) -> (i32, i32) {
    %c0_i32 = arith.constant 0 : i32
    %c0_i32_0 = arith.constant 0 : i32
    return %c0_i32, %arg0 : i32, i32
  }
  func.func @transform_3(%arg0: i32) -> (i32, i32) {
    %c0_i32 = arith.constant 0 : i32
    %c0_i32_0 = arith.constant 0 : i32
    return %c0_i32, %arg0 : i32, i32
  }
}

module attributes {stable_mosaic.version = 14 : i64} {
  func.func @_outproj_body(%arg0: i32, %arg1: memref<256x1024xbf16, #tpu.memory_space<vmem>>, %arg2: memref<256x1024xf32, #tpu.memory_space<vmem>>, %arg3: memref<1024x1024xf32, #tpu.memory_space<vmem>>, %arg4: memref<1x1024xf32, #tpu.memory_space<vmem>>, %arg5: memref<64x1024xf32, #tpu.memory_space<vmem>>, %arg6: memref<256x1024xf32, #tpu.memory_space<vmem>>, %arg7: memref<256x1024xf32, #tpu.memory_space<vmem>>, %arg8: memref<256x64xf32, #tpu.memory_space<vmem>>) attributes {dimension_semantics = [#tpu.dimension_semantics<arbitrary>], iteration_bounds = array<i64: 8>, scalar_prefetch = 0 : i64, scratch_operands = 0 : i64, tpu.core_type = #tpu.core_type<tc>, window_params = [{transform_indices = @transform_0, window_bounds = array<i64: 256, 1024>}, {transform_indices = @transform_1, window_bounds = array<i64: 256, 1024>}, {pipeline_mode = #tpu.pipeline_mode<synchronous>, transform_indices = @transform_2, window_bounds = array<i64: 1024, 1024>}, {pipeline_mode = #tpu.pipeline_mode<synchronous>, transform_indices = @transform_3, window_bounds = array<i64: 1, 1024>}, {pipeline_mode = #tpu.pipeline_mode<synchronous>, transform_indices = @transform_4, window_bounds = array<i64: 64, 1024>}, {transform_indices = @transform_5, window_bounds = array<i64: 256, 1024>}, {transform_indices = @transform_6, window_bounds = array<i64: 256, 1024>}, {transform_indices = @transform_7, window_bounds = array<i64: 256, 64>}]} {
    %get3A = arith.constant 0 : index
    %get3A_0 = arith.constant 0 : index
    %get3A_1 = vector.load %arg1[%get3A, %get3A_0] : memref<256x1024xbf16, #tpu.memory_space<vmem>>, vector<256x1024xbf16>
    %get3A_2 = arith.constant 0 : index
    %get3A_3 = arith.constant 0 : index
    %get3A_4 = vector.load %arg3[%get3A_2, %get3A_3] : memref<1024x1024xf32, #tpu.memory_space<vmem>>, vector<1024x1024xf32>
    %convert_element_type3A = arith.truncf %get3A_4 : vector<1024x1024xf32> to vector<1024x1024xbf16>
    %dot_general3A = arith.constant dense<0.000000e+00> : vector<256x1024xf32>
    %dot_general3A_5 = tpu.matmul %get3A_1, %convert_element_type3A, %dot_general3A {dimension_numbers = #tpu.dot_dimension_numbers<[1], [1], [0], [0], [0, 0, 1, 0], [], []>, transpose_lhs_hint = false} : vector<256x1024xbf16>, vector<1024x1024xbf16>, vector<256x1024xf32> -> vector<256x1024xf32>
    %get3A_6 = arith.constant 0 : index
    %get3A_7 = arith.constant 0 : index
    %get3A_8 = vector.load %arg2[%get3A_6, %get3A_7] : memref<256x1024xf32, #tpu.memory_space<vmem>>, vector<256x1024xf32>
    %mul3A = arith.constant 2.200000e-01 : f32
    %mul3A_9 = vector.broadcast %mul3A : f32 to vector<256x1024xf32>
    %mul3A_10 = arith.mulf %dot_general3A_5, %mul3A_9 : vector<256x1024xf32>
    %add3A = arith.addf %get3A_8, %mul3A_10 : vector<256x1024xf32>
    %swap3A = arith.constant 0 : index
    %swap3A_11 = arith.constant 0 : index
    %swap3A_12 = vector.load %arg6[%swap3A, %swap3A_11] : memref<256x1024xf32, #tpu.memory_space<vmem>>, vector<256x1024xf32>
    tpu.vector_store %arg6[%swap3A, %swap3A_11], %add3A {strides = array<i32>} : memref<256x1024xf32, #tpu.memory_space<vmem>>, vector<256x1024xf32>,
    %mul3A_13 = arith.mulf %add3A, %add3A : vector<256x1024xf32>
    %reduce_sum3A = arith.constant dense<0.000000e+00> : vector<256xf32>
    %reduce_sum3A_14 = vector.multi_reduction <add>, %mul3A_13, %reduce_sum3A [1] : vector<256x1024xf32> to vector<256xf32>
    %broadcast_in_dim3A = vector.shape_cast %reduce_sum3A_14 : vector<256xf32> to vector<256x1xf32>
    %div3A = arith.constant 1.024000e+03 : f32
    %div3A_15 = vector.broadcast %div3A : f32 to vector<256x1xf32>
    %div3A_16 = arith.divf %broadcast_in_dim3A, %div3A_15 : vector<256x1xf32>
    %add3A_17 = arith.constant 9.99999997E-7 : f32
    %add3A_18 = vector.broadcast %add3A_17 : f32 to vector<256x1xf32>
    %add3A_19 = arith.addf %div3A_16, %add3A_18 : vector<256x1xf32>
    %rsqrt3A = math.rsqrt %add3A_19 : vector<256x1xf32>
    %mul3A_20 = vector.broadcast %rsqrt3A : vector<256x1xf32> to vector<256x1024xf32>
    %mul3A_21 = arith.mulf %add3A, %mul3A_20 : vector<256x1024xf32>
    %get3A_22 = arith.constant 0 : index
    %get3A_23 = arith.constant 0 : index
    %get3A_24 = vector.load %arg4[%get3A_22, %get3A_23] : memref<1x1024xf32, #tpu.memory_space<vmem>>, vector<1x1024xf32>
    %mul3A_25 = vector.broadcast %get3A_24 : vector<1x1024xf32> to vector<256x1024xf32>
    %mul3A_26 = arith.mulf %mul3A_21, %mul3A_25 : vector<256x1024xf32>
    %swap3A_27 = arith.constant 0 : index
    %swap3A_28 = arith.constant 0 : index
    %swap3A_29 = vector.load %arg7[%swap3A_27, %swap3A_28] : memref<256x1024xf32, #tpu.memory_space<vmem>>, vector<256x1024xf32>
    tpu.vector_store %arg7[%swap3A_27, %swap3A_28], %mul3A_26 {strides = array<i32>} : memref<256x1024xf32, #tpu.memory_space<vmem>>, vector<256x1024xf32>,
    %get3A_30 = arith.constant 0 : index
    %get3A_31 = arith.constant 0 : index
    %get3A_32 = vector.load %arg5[%get3A_30, %get3A_31] : memref<64x1024xf32, #tpu.memory_space<vmem>>, vector<64x1024xf32>
    %dot_general3A_33 = arith.constant dense<0.000000e+00> : vector<256x64xf32>
    %dot_general3A_34 = tpu.matmul %mul3A_26, %get3A_32, %dot_general3A_33 {dimension_numbers = #tpu.dot_dimension_numbers<[1], [1], [0], [0], [0, 0, 1, 0], [], []>, transpose_lhs_hint = false} : vector<256x1024xf32>, vector<64x1024xf32>, vector<256x64xf32> -> vector<256x64xf32>
    %swap3A_35 = arith.constant 0 : index
    %swap3A_36 = arith.constant 0 : index
    %swap3A_37 = vector.load %arg8[%swap3A_35, %swap3A_36] : memref<256x64xf32, #tpu.memory_space<vmem>>, vector<256x64xf32>
    tpu.vector_store %arg8[%swap3A_35, %swap3A_36], %dot_general3A_34 {strides = array<i32>} : memref<256x64xf32, #tpu.memory_space<vmem>>, vector<256x64xf32>,
    return
  }
  func.func @transform_0(%arg0: i32) -> (i32, i32) {
    %c0_i32 = arith.constant 0 : i32
    %c0_i32_0 = arith.constant 0 : i32
    return %arg0, %c0_i32 : i32, i32
  }
  func.func @transform_1(%arg0: i32) -> (i32, i32) {
    %c0_i32 = arith.constant 0 : i32
    %c0_i32_0 = arith.constant 0 : i32
    return %arg0, %c0_i32 : i32, i32
  }
  func.func @transform_2(%arg0: i32) -> (i32, i32) {
    %c0_i32 = arith.constant 0 : i32
    %c0_i32_0 = arith.constant 0 : i32
    %c0_i32_1 = arith.constant 0 : i32
    return %c0_i32, %c0_i32_0 : i32, i32
  }
  func.func @transform_3(%arg0: i32) -> (i32, i32) {
    %c0_i32 = arith.constant 0 : i32
    %c0_i32_0 = arith.constant 0 : i32
    %c0_i32_1 = arith.constant 0 : i32
    return %c0_i32, %c0_i32_0 : i32, i32
  }
  func.func @transform_4(%arg0: i32) -> (i32, i32) {
    %c0_i32 = arith.constant 0 : i32
    %c0_i32_0 = arith.constant 0 : i32
    %c0_i32_1 = arith.constant 0 : i32
    return %c0_i32, %c0_i32_0 : i32, i32
  }
  func.func @transform_5(%arg0: i32) -> (i32, i32) {
    %c0_i32 = arith.constant 0 : i32
    %c0_i32_0 = arith.constant 0 : i32
    return %arg0, %c0_i32 : i32, i32
  }
  func.func @transform_6(%arg0: i32) -> (i32, i32) {
    %c0_i32 = arith.constant 0 : i32
    %c0_i32_0 = arith.constant 0 : i32
    return %arg0, %c0_i32 : i32, i32
  }
  func.func @transform_7(%arg0: i32) -> (i32, i32) {
    %c0_i32 = arith.constant 0 : i32
    %c0_i32_0 = arith.constant 0 : i32
    return %arg0, %c0_i32 : i32, i32
  }
}

module attributes {stable_mosaic.version = 14 : i64} {
  func.func @_route_body(%arg0: memref<2048x64xf32, #tpu.memory_space<vmem>>, %arg1: memref<4x2048xi32, #tpu.memory_space<vmem>>, %arg2: memref<2x2048xf32, #tpu.memory_space<vmem>>, %arg3: memref<2048x64xf32, #tpu.memory_space<vmem>>, %arg4: memref<2048x64xf32, #tpu.memory_space<vmem>>) attributes {dimension_semantics = [], scalar_prefetch = 0 : i64, scratch_operands = 2 : i64, tpu.core_type = #tpu.core_type<tc>} {
    %get3A = arith.constant 0 : index
    %get3A_0 = arith.constant 0 : index
    %get3A_1 = vector.load %arg0[%get3A, %get3A_0] : memref<2048x64xf32, #tpu.memory_space<vmem>>, vector<2048x64xf32>
    %iota3A = tpu.iota {dimensions = array<i32: 1>} : vector<2048x64xi32>
    %reduce_max3A = arith.constant dense<0xFF800000> : vector<2048xf32>
    %reduce_max3A_2 = vector.multi_reduction <maximumf>, %get3A_1, %reduce_max3A [1] : vector<2048x64xf32> to vector<2048xf32>
    %broadcast_in_dim3A = vector.shape_cast %reduce_max3A_2 : vector<2048xf32> to vector<2048x1xf32>
    %eq3A = vector.broadcast %broadcast_in_dim3A : vector<2048x1xf32> to vector<2048x64xf32>
    %eq3A_3 = arith.cmpf oeq, %get3A_1, %eq3A : vector<2048x64xf32>
    %jit3A = arith.constant 64 : i32
    %broadcast_in_dim3A_4 = vector.broadcast %jit3A : i32 to vector<2048x64xi32>
    %select_n3A = arith.select %eq3A_3, %iota3A, %broadcast_in_dim3A_4 : vector<2048x64xi1>, vector<2048x64xi32>
    %reduce_min3A = arith.constant dense<2147483647> : vector<2048xi32>
    %reduce_min3A_5 = vector.multi_reduction <minsi>, %select_n3A, %reduce_min3A [1] : vector<2048x64xi32> to vector<2048xi32>
    %broadcast_in_dim3A_6 = vector.shape_cast %reduce_min3A_5 : vector<2048xi32> to vector<2048x1xi32>
    %eq3A_7 = vector.broadcast %broadcast_in_dim3A_6 : vector<2048x1xi32> to vector<2048x64xi32>
    %eq3A_8 = arith.cmpi eq, %iota3A, %eq3A_7 : vector<2048x64xi32>
    %jit3A_9 = arith.constant 0xFF800000 : f32
    %broadcast_in_dim3A_10 = vector.broadcast %jit3A_9 : f32 to vector<2048x64xf32>
    %select_n3A_11 = arith.select %eq3A_8, %broadcast_in_dim3A_10, %get3A_1 : vector<2048x64xi1>, vector<2048x64xf32>
    %reduce_max3A_12 = arith.constant dense<0xFF800000> : vector<2048xf32>
    %reduce_max3A_13 = vector.multi_reduction <maximumf>, %select_n3A_11, %reduce_max3A_12 [1] : vector<2048x64xf32> to vector<2048xf32>
    %broadcast_in_dim3A_14 = vector.shape_cast %reduce_max3A_13 : vector<2048xf32> to vector<2048x1xf32>
    %eq3A_15 = vector.broadcast %broadcast_in_dim3A_14 : vector<2048x1xf32> to vector<2048x64xf32>
    %eq3A_16 = arith.cmpf oeq, %select_n3A_11, %eq3A_15 : vector<2048x64xf32>
    %jit3A_17 = arith.constant 64 : i32
    %broadcast_in_dim3A_18 = vector.broadcast %jit3A_17 : i32 to vector<2048x64xi32>
    %select_n3A_19 = arith.select %eq3A_16, %iota3A, %broadcast_in_dim3A_18 : vector<2048x64xi1>, vector<2048x64xi32>
    %reduce_min3A_20 = arith.constant dense<2147483647> : vector<2048xi32>
    %reduce_min3A_21 = vector.multi_reduction <minsi>, %select_n3A_19, %reduce_min3A_20 [1] : vector<2048x64xi32> to vector<2048xi32>
    %broadcast_in_dim3A_22 = vector.shape_cast %reduce_min3A_21 : vector<2048xi32> to vector<2048x1xi32>
    %eq3A_23 = vector.broadcast %broadcast_in_dim3A_22 : vector<2048x1xi32> to vector<2048x64xi32>
    %eq3A_24 = arith.cmpi eq, %iota3A, %eq3A_23 : vector<2048x64xi32>
    %sub3A = arith.subf %broadcast_in_dim3A_14, %broadcast_in_dim3A : vector<2048x1xf32>
    %exp3A = math.exp %sub3A : vector<2048x1xf32>
    %add3A = arith.constant 1.000000e+00 : f32
    %add3A_25 = vector.broadcast %add3A : f32 to vector<2048x1xf32>
    %add3A_26 = arith.addf %add3A_25, %exp3A : vector<2048x1xf32>
    %div3A = arith.constant 1.000000e+00 : f32
    %div3A_27 = vector.broadcast %div3A : f32 to vector<2048x1xf32>
    %div3A_28 = arith.divf %div3A_27, %add3A_26 : vector<2048x1xf32>
    %mul3A = arith.mulf %exp3A, %div3A_28 : vector<2048x1xf32>
    %convert_element_type3A = arith.extui %eq3A_8 : vector<2048x64xi1> to vector<2048x64xi32>
    %convert_element_type3A_29 = arith.sitofp %convert_element_type3A : vector<2048x64xi32> to vector<2048x64xf32>
    %convert_element_type3A_30 = arith.extui %eq3A_24 : vector<2048x64xi1> to vector<2048x64xi32>
    %convert_element_type3A_31 = arith.sitofp %convert_element_type3A_30 : vector<2048x64xi32> to vector<2048x64xf32>
    %add3A_32 = arith.addf %convert_element_type3A_29, %convert_element_type3A_31 : vector<2048x64xf32>
    %swap3A = arith.constant 0 : index
    %swap3A_33 = arith.constant 0 : index
    %swap3A_34 = vector.load %arg3[%swap3A, %swap3A_33] : memref<2048x64xf32, #tpu.memory_space<vmem>>, vector<2048x64xf32>
    tpu.vector_store %arg3[%swap3A, %swap3A_33], %add3A_32 {strides = array<i32>} : memref<2048x64xf32, #tpu.memory_space<vmem>>, vector<2048x64xf32>,
    %iota3A_35 = tpu.iota {dimensions = array<i32: 0>} : vector<256x256xi32>
    %iota3A_36 = tpu.iota {dimensions = array<i32: 1>} : vector<256x256xi32>
    %lt3A = arith.cmpi slt, %iota3A_36, %iota3A_35 : vector<256x256xi32>
    %convert_element_type3A_37 = arith.extui %lt3A : vector<256x256xi1> to vector<256x256xi32>
    %convert_element_type3A_38 = arith.sitofp %convert_element_type3A_37 : vector<256x256xi32> to vector<256x256xf32>
    %broadcast_in_dim3A_39 = arith.constant 0.000000e+00 : f32
    %broadcast_in_dim3A_40 = vector.broadcast %broadcast_in_dim3A_39 : f32 to vector<1x64xf32>
    %scan3A = arith.constant 0 : i32
    %scan3A_41 = arith.constant 8 : i32
    %scan3A_42 = arith.addi %scan3A, %scan3A_41 : i32
    %scan3A_43 = arith.constant 1 : i32
    %scan3A_44 = scf.for %scan3A_107 = %scan3A to %scan3A_42 step %scan3A_43 iter_args(%scan3A_108 = %broadcast_in_dim3A_40) -> (vector<1x64xf32>)  : i32 {
      %mul3A_109 = arith.constant 256 : i32
      %mul3A_110 = arith.muli %scan3A_107, %mul3A_109 : i32
      %get3A_111 = arith.index_cast %mul3A_110 : i32 to index
      %get3A_112 = arith.constant 0 : index
      %get3A_113 = vector.load %arg3[%get3A_111, %get3A_112] : memref<2048x64xf32, #tpu.memory_space<vmem>>, vector<256x64xf32>
      %dot_general3A = arith.constant dense<0.000000e+00> : vector<256x64xf32>
      %dot_general3A_114 = tpu.matmul %convert_element_type3A_38, %get3A_113, %dot_general3A {dimension_numbers = #tpu.dot_dimension_numbers<[1], [0], [0], [1], [0, 0, 1, 1], [], []>, transpose_lhs_hint = false} : vector<256x256xf32>, vector<256x64xf32>, vector<256x64xf32> -> vector<256x64xf32>
      %add3A_115 = vector.broadcast %scan3A_108 : vector<1x64xf32> to vector<256x64xf32>
      %add3A_116 = arith.addf %dot_general3A_114, %add3A_115 : vector<256x64xf32>
      %mul3A_117 = arith.constant 256 : i32
      %mul3A_118 = arith.muli %scan3A_107, %mul3A_117 : i32
      %swap3A_119 = arith.index_cast %mul3A_118 : i32 to index
      %swap3A_120 = arith.constant 0 : index
      %swap3A_121 = vector.load %arg4[%swap3A_119, %swap3A_120] : memref<2048x64xf32, #tpu.memory_space<vmem>>, vector<256x64xf32>
      tpu.vector_store %arg4[%swap3A_119, %swap3A_120], %add3A_116 {strides = array<i32>} : memref<2048x64xf32, #tpu.memory_space<vmem>>, vector<256x64xf32>,
      %reduce_sum3A_122 = arith.constant dense<0.000000e+00> : vector<64xf32>
      %reduce_sum3A_123 = vector.multi_reduction <add>, %get3A_113, %reduce_sum3A_122 [0] : vector<256x64xf32> to vector<64xf32>
      %broadcast_in_dim3A_124 = vector.shape_cast %reduce_sum3A_123 : vector<64xf32> to vector<1x64xf32>
      %add3A_125 = arith.addf %scan3A_108, %broadcast_in_dim3A_124 : vector<1x64xf32>
      scf.yield %add3A_125 : vector<1x64xf32>
    }
    %scan3A_45 = arith.constant 8 : i32
    %get3A_46 = arith.constant 0 : index
    %get3A_47 = arith.constant 0 : index
    %get3A_48 = vector.load %arg4[%get3A_46, %get3A_47] : memref<2048x64xf32, #tpu.memory_space<vmem>>, vector<2048x64xf32>
    %jit3A_49 = arith.constant 0.000000e+00 : f32
    %broadcast_in_dim3A_50 = vector.broadcast %jit3A_49 : f32 to vector<2048x64xf32>
    %select_n3A_51 = arith.select %eq3A_8, %get3A_48, %broadcast_in_dim3A_50 : vector<2048x64xi1>, vector<2048x64xf32>
    %reduce_sum3A = arith.constant dense<0.000000e+00> : vector<2048xf32>
    %reduce_sum3A_52 = vector.multi_reduction <add>, %select_n3A_51, %reduce_sum3A [1] : vector<2048x64xf32> to vector<2048xf32>
    %convert_element_type3A_53 = arith.fptosi %reduce_sum3A_52 : vector<2048xf32> to vector<2048xi32>
    %jit3A_54 = arith.constant 0.000000e+00 : f32
    %broadcast_in_dim3A_55 = vector.broadcast %jit3A_54 : f32 to vector<2048x64xf32>
    %select_n3A_56 = arith.select %eq3A_24, %get3A_48, %broadcast_in_dim3A_55 : vector<2048x64xi1>, vector<2048x64xf32>
    %reduce_sum3A_57 = arith.constant dense<0.000000e+00> : vector<2048xf32>
    %reduce_sum3A_58 = vector.multi_reduction <add>, %select_n3A_56, %reduce_sum3A_57 [1] : vector<2048x64xf32> to vector<2048xf32>
    %convert_element_type3A_59 = arith.fptosi %reduce_sum3A_58 : vector<2048xf32> to vector<2048xi32>
    %squeeze3A = vector.shape_cast %broadcast_in_dim3A_6 : vector<2048x1xi32> to vector<2048xi32>
    %squeeze3A_60 = vector.shape_cast %broadcast_in_dim3A_22 : vector<2048x1xi32> to vector<2048xi32>
    %lt3A_61 = arith.constant 128 : i32
    %lt3A_62 = vector.broadcast %lt3A_61 : i32 to vector<2048xi32>
    %lt3A_63 = arith.cmpi slt, %convert_element_type3A_53, %lt3A_62 : vector<2048xi32>
    %lt3A_64 = arith.constant 128 : i32
    %lt3A_65 = vector.broadcast %lt3A_64 : i32 to vector<2048xi32>
    %lt3A_66 = arith.cmpi slt, %convert_element_type3A_59, %lt3A_65 : vector<2048xi32>
    %mul3A_67 = arith.constant 128 : i32
    %mul3A_68 = vector.broadcast %mul3A_67 : i32 to vector<2048xi32>
    %mul3A_69 = arith.muli %squeeze3A, %mul3A_68 : vector<2048xi32>
    %min3A = arith.constant 127 : i32
    %min3A_70 = vector.broadcast %min3A : i32 to vector<2048xi32>
    %min3A_71 = arith.minsi %convert_element_type3A_53, %min3A_70 : vector<2048xi32>
    %add3A_72 = arith.addi %mul3A_69, %min3A_71 : vector<2048xi32>
    %mul3A_73 = arith.constant 128 : i32
    %mul3A_74 = vector.broadcast %mul3A_73 : i32 to vector<2048xi32>
    %mul3A_75 = arith.muli %squeeze3A_60, %mul3A_74 : vector<2048xi32>
    %min3A_76 = arith.constant 127 : i32
    %min3A_77 = vector.broadcast %min3A_76 : i32 to vector<2048xi32>
    %min3A_78 = arith.minsi %convert_element_type3A_59, %min3A_77 : vector<2048xi32>
    %add3A_79 = arith.addi %mul3A_75, %min3A_78 : vector<2048xi32>
    %jit3A_80 = arith.constant 8192 : i32
    %broadcast_in_dim3A_81 = vector.broadcast %jit3A_80 : i32 to vector<2048xi32>
    %select_n3A_82 = arith.select %lt3A_63, %add3A_72, %broadcast_in_dim3A_81 : vector<2048xi1>, vector<2048xi32>
    %jit3A_83 = arith.constant 8192 : i32
    %broadcast_in_dim3A_84 = vector.broadcast %jit3A_83 : i32 to vector<2048xi32>
    %select_n3A_85 = arith.select %lt3A_66, %add3A_79, %broadcast_in_dim3A_84 : vector<2048xi1>, vector<2048xi32>
    %stack3A = vector.shape_cast %select_n3A_82 : vector<2048xi32> to vector<1x2048xi32>
    %stack3A_86 = vector.shape_cast %select_n3A_85 : vector<2048xi32> to vector<1x2048xi32>
    %stack3A_87 = vector.shape_cast %add3A_72 : vector<2048xi32> to vector<1x2048xi32>
    %stack3A_88 = vector.shape_cast %add3A_79 : vector<2048xi32> to vector<1x2048xi32>
    %stack3A_89 = tpu.concatenate %stack3A, %stack3A_86, %stack3A_87, %stack3A_88 in 0 : vector<1x2048xi32>, vector<1x2048xi32>, vector<1x2048xi32>, vector<1x2048xi32> -> vector<4x2048xi32>
    %swap3A_90 = arith.constant 0 : index
    %swap3A_91 = arith.constant 0 : index
    %swap3A_92 = vector.load %arg1[%swap3A_90, %swap3A_91] : memref<4x2048xi32, #tpu.memory_space<vmem>>, vector<4x2048xi32>
    tpu.vector_store %arg1[%swap3A_90, %swap3A_91], %stack3A_89 {strides = array<i32>} : memref<4x2048xi32, #tpu.memory_space<vmem>>, vector<4x2048xi32>,
    %squeeze3A_93 = vector.shape_cast %div3A_28 : vector<2048x1xf32> to vector<2048xf32>
    %jit3A_94 = arith.constant 0.000000e+00 : f32
    %broadcast_in_dim3A_95 = vector.broadcast %jit3A_94 : f32 to vector<2048xf32>
    %select_n3A_96 = arith.select %lt3A_63, %squeeze3A_93, %broadcast_in_dim3A_95 : vector<2048xi1>, vector<2048xf32>
    %squeeze3A_97 = vector.shape_cast %mul3A : vector<2048x1xf32> to vector<2048xf32>
    %jit3A_98 = arith.constant 0.000000e+00 : f32
    %broadcast_in_dim3A_99 = vector.broadcast %jit3A_98 : f32 to vector<2048xf32>
    %select_n3A_100 = arith.select %lt3A_66, %squeeze3A_97, %broadcast_in_dim3A_99 : vector<2048xi1>, vector<2048xf32>
    %stack3A_101 = vector.shape_cast %select_n3A_96 : vector<2048xf32> to vector<1x2048xf32>
    %stack3A_102 = vector.shape_cast %select_n3A_100 : vector<2048xf32> to vector<1x2048xf32>
    %stack3A_103 = tpu.concatenate %stack3A_101, %stack3A_102 in 0 : vector<1x2048xf32>, vector<1x2048xf32> -> vector<2x2048xf32>
    %swap3A_104 = arith.constant 0 : index
    %swap3A_105 = arith.constant 0 : index
    %swap3A_106 = vector.load %arg2[%swap3A_104, %swap3A_105] : memref<2x2048xf32, #tpu.memory_space<vmem>>, vector<2x2048xf32>
    tpu.vector_store %arg2[%swap3A_104, %swap3A_105], %stack3A_103 {strides = array<i32>} : memref<2x2048xf32, #tpu.memory_space<vmem>>, vector<2x2048xf32>,
    return
  }
}

module attributes {stable_mosaic.version = 14 : i64} {
  func.func @_ffn_body(%arg0: i32, %arg1: memref<128x1024xf32, #tpu.memory_space<vmem>>, %arg2: memref<1x512x1024xf32, #tpu.memory_space<vmem>>, %arg3: memref<1x512x1024xf32, #tpu.memory_space<vmem>>, %arg4: memref<1x1024x512xf32, #tpu.memory_space<vmem>>, %arg5: memref<128x1024xf32, #tpu.memory_space<vmem>>) attributes {dimension_semantics = [#tpu.dimension_semantics<arbitrary>], iteration_bounds = array<i64: 64>, scalar_prefetch = 0 : i64, scratch_operands = 0 : i64, tpu.core_type = #tpu.core_type<tc>, window_params = [{transform_indices = @transform_0, window_bounds = array<i64: 128, 1024>}, {transform_indices = @transform_1, window_bounds = array<i64: 1, 512, 1024>}, {transform_indices = @transform_2, window_bounds = array<i64: 1, 512, 1024>}, {transform_indices = @transform_3, window_bounds = array<i64: 1, 1024, 512>}, {transform_indices = @transform_4, window_bounds = array<i64: 128, 1024>}]} {
    %get3A = arith.constant 0 : index
    %get3A_0 = arith.constant 0 : index
    %get3A_1 = vector.load %arg1[%get3A, %get3A_0] : memref<128x1024xf32, #tpu.memory_space<vmem>>, vector<128x1024xf32>
    %get3A_2 = arith.constant 0 : index
    %get3A_3 = arith.constant 0 : index
    %get3A_4 = arith.constant 0 : index
    %get3A_5 = vector.load %arg2[%get3A_2, %get3A_3, %get3A_4] : memref<1x512x1024xf32, #tpu.memory_space<vmem>>, vector<1x512x1024xf32>
    %get3A_6 = vector.shape_cast %get3A_5 : vector<1x512x1024xf32> to vector<512x1024xf32>
    %convert_element_type3A = arith.truncf %get3A_1 : vector<128x1024xf32> to vector<128x1024xbf16>
    %convert_element_type3A_7 = arith.truncf %get3A_6 : vector<512x1024xf32> to vector<512x1024xbf16>
    %dot_general3A = arith.constant dense<0.000000e+00> : vector<128x512xf32>
    %dot_general3A_8 = tpu.matmul %convert_element_type3A, %convert_element_type3A_7, %dot_general3A {dimension_numbers = #tpu.dot_dimension_numbers<[1], [1], [0], [0], [0, 0, 1, 0], [], []>, transpose_lhs_hint = false} : vector<128x1024xbf16>, vector<512x1024xbf16>, vector<128x512xf32> -> vector<128x512xf32>
    %get3A_9 = arith.constant 0 : index
    %get3A_10 = arith.constant 0 : index
    %get3A_11 = arith.constant 0 : index
    %get3A_12 = vector.load %arg3[%get3A_9, %get3A_10, %get3A_11] : memref<1x512x1024xf32, #tpu.memory_space<vmem>>, vector<1x512x1024xf32>
    %get3A_13 = vector.shape_cast %get3A_12 : vector<1x512x1024xf32> to vector<512x1024xf32>
    %convert_element_type3A_14 = arith.truncf %get3A_1 : vector<128x1024xf32> to vector<128x1024xbf16>
    %convert_element_type3A_15 = arith.truncf %get3A_13 : vector<512x1024xf32> to vector<512x1024xbf16>
    %dot_general3A_16 = arith.constant dense<0.000000e+00> : vector<128x512xf32>
    %dot_general3A_17 = tpu.matmul %convert_element_type3A_14, %convert_element_type3A_15, %dot_general3A_16 {dimension_numbers = #tpu.dot_dimension_numbers<[1], [1], [0], [0], [0, 0, 1, 0], [], []>, transpose_lhs_hint = false} : vector<128x1024xbf16>, vector<512x1024xbf16>, vector<128x512xf32> -> vector<128x512xf32>
    %logistic3A = arith.negf %dot_general3A_8 : vector<128x512xf32>
    %logistic3A_18 = math.exp %logistic3A : vector<128x512xf32>
    %logistic3A_19 = arith.constant 1.000000e+00 : f32
    %logistic3A_20 = vector.broadcast %logistic3A_19 : f32 to vector<128x512xf32>
    %logistic3A_21 = arith.addf %logistic3A_20, %logistic3A_18 : vector<128x512xf32>
    %logistic3A_22 = arith.divf %logistic3A_20, %logistic3A_21 : vector<128x512xf32>
    %mul3A = arith.mulf %dot_general3A_8, %logistic3A_22 : vector<128x512xf32>
    %mul3A_23 = arith.mulf %mul3A, %dot_general3A_17 : vector<128x512xf32>
    %get3A_24 = arith.constant 0 : index
    %get3A_25 = arith.constant 0 : index
    %get3A_26 = arith.constant 0 : index
    %get3A_27 = vector.load %arg4[%get3A_24, %get3A_25, %get3A_26] : memref<1x1024x512xf32, #tpu.memory_space<vmem>>, vector<1x1024x512xf32>
    %get3A_28 = vector.shape_cast %get3A_27 : vector<1x1024x512xf32> to vector<1024x512xf32>
    %convert_element_type3A_29 = arith.truncf %mul3A_23 : vector<128x512xf32> to vector<128x512xbf16>
    %convert_element_type3A_30 = arith.truncf %get3A_28 : vector<1024x512xf32> to vector<1024x512xbf16>
    %dot_general3A_31 = arith.constant dense<0.000000e+00> : vector<128x1024xf32>
    %dot_general3A_32 = tpu.matmul %convert_element_type3A_29, %convert_element_type3A_30, %dot_general3A_31 {dimension_numbers = #tpu.dot_dimension_numbers<[1], [1], [0], [0], [0, 0, 1, 0], [], []>, transpose_lhs_hint = false} : vector<128x512xbf16>, vector<1024x512xbf16>, vector<128x1024xf32> -> vector<128x1024xf32>
    %swap3A = arith.constant 0 : index
    %swap3A_33 = arith.constant 0 : index
    %swap3A_34 = vector.load %arg5[%swap3A, %swap3A_33] : memref<128x1024xf32, #tpu.memory_space<vmem>>, vector<128x1024xf32>
    tpu.vector_store %arg5[%swap3A, %swap3A_33], %dot_general3A_32 {strides = array<i32>} : memref<128x1024xf32, #tpu.memory_space<vmem>>, vector<128x1024xf32>,
    return
  }
  func.func @transform_0(%arg0: i32) -> (i32, i32) {
    %c0_i32 = arith.constant 0 : i32
    %c0_i32_0 = arith.constant 0 : i32
    return %arg0, %c0_i32 : i32, i32
  }
  func.func @transform_1(%arg0: i32) -> (i32, i32, i32) {
    %c0_i32 = arith.constant 0 : i32
    %c0_i32_0 = arith.constant 0 : i32
    %c0_i32_1 = arith.constant 0 : i32
    return %arg0, %c0_i32, %c0_i32_0 : i32, i32, i32
  }
  func.func @transform_2(%arg0: i32) -> (i32, i32, i32) {
    %c0_i32 = arith.constant 0 : i32
    %c0_i32_0 = arith.constant 0 : i32
    %c0_i32_1 = arith.constant 0 : i32
    return %arg0, %c0_i32, %c0_i32_0 : i32, i32, i32
  }
  func.func @transform_3(%arg0: i32) -> (i32, i32, i32) {
    %c0_i32 = arith.constant 0 : i32
    %c0_i32_0 = arith.constant 0 : i32
    %c0_i32_1 = arith.constant 0 : i32
    return %arg0, %c0_i32, %c0_i32_0 : i32, i32, i32
  }
  func.func @transform_4(%arg0: i32) -> (i32, i32) {
    %c0_i32 = arith.constant 0 : i32
    %c0_i32_0 = arith.constant 0 : i32
    return %arg0, %c0_i32 : i32, i32
  }
}

module attributes {stable_mosaic.version = 14 : i64} {
  func.func @_final_body(%arg0: i32, %arg1: memref<256x1024xf32, #tpu.memory_space<vmem>>, %arg2: memref<256x1024xf32, #tpu.memory_space<vmem>>, %arg3: memref<256x1024xf32, #tpu.memory_space<vmem>>, %arg4: memref<256x1xf32, #tpu.memory_space<vmem>>, %arg5: memref<256x1xf32, #tpu.memory_space<vmem>>, %arg6: memref<256x1024xf32, #tpu.memory_space<vmem>>) attributes {dimension_semantics = [#tpu.dimension_semantics<arbitrary>], iteration_bounds = array<i64: 8>, scalar_prefetch = 0 : i64, scratch_operands = 0 : i64, tpu.core_type = #tpu.core_type<tc>, window_params = [{transform_indices = @transform_0, window_bounds = array<i64: 256, 1024>}, {transform_indices = @transform_1, window_bounds = array<i64: 256, 1024>}, {transform_indices = @transform_2, window_bounds = array<i64: 256, 1024>}, {transform_indices = @transform_3, window_bounds = array<i64: 256, 1>}, {transform_indices = @transform_4, window_bounds = array<i64: 256, 1>}, {transform_indices = @transform_5, window_bounds = array<i64: 256, 1024>}]} {
    %get3A = arith.constant 0 : index
    %get3A_0 = arith.constant 0 : index
    %get3A_1 = vector.load %arg4[%get3A, %get3A_0] : memref<256x1xf32, #tpu.memory_space<vmem>>, vector<256x1xf32>
    %get3A_2 = arith.constant 0 : index
    %get3A_3 = arith.constant 0 : index
    %get3A_4 = vector.load %arg5[%get3A_2, %get3A_3] : memref<256x1xf32, #tpu.memory_space<vmem>>, vector<256x1xf32>
    %gt3A = arith.constant 0.000000e+00 : f32
    %gt3A_5 = vector.broadcast %gt3A : f32 to vector<256x1xf32>
    %gt3A_6 = arith.cmpf ogt, %get3A_1, %gt3A_5 : vector<256x1xf32>
    %get3A_7 = arith.constant 0 : index
    %get3A_8 = arith.constant 0 : index
    %get3A_9 = vector.load %arg2[%get3A_7, %get3A_8] : memref<256x1024xf32, #tpu.memory_space<vmem>>, vector<256x1024xf32>
    %mul3A = vector.broadcast %get3A_1 : vector<256x1xf32> to vector<256x1024xf32>
    %mul3A_10 = arith.mulf %mul3A, %get3A_9 : vector<256x1024xf32>
    %jit3A = arith.constant 0.000000e+00 : f32
    %broadcast_in_dim3A = vector.shape_cast %gt3A_6 : vector<256x1xi1> to vector<256x1xi1>
    %broadcast_in_dim3A_11 = vector.broadcast %broadcast_in_dim3A : vector<256x1xi1> to vector<256x1024xi1>
    %broadcast_in_dim3A_12 = vector.broadcast %jit3A : f32 to vector<256x1024xf32>
    %select_n3A = arith.select %broadcast_in_dim3A_11, %mul3A_10, %broadcast_in_dim3A_12 : vector<256x1024xi1>, vector<256x1024xf32>
    %gt3A_13 = arith.constant 0.000000e+00 : f32
    %gt3A_14 = vector.broadcast %gt3A_13 : f32 to vector<256x1xf32>
    %gt3A_15 = arith.cmpf ogt, %get3A_4, %gt3A_14 : vector<256x1xf32>
    %get3A_16 = arith.constant 0 : index
    %get3A_17 = arith.constant 0 : index
    %get3A_18 = vector.load %arg3[%get3A_16, %get3A_17] : memref<256x1024xf32, #tpu.memory_space<vmem>>, vector<256x1024xf32>
    %mul3A_19 = vector.broadcast %get3A_4 : vector<256x1xf32> to vector<256x1024xf32>
    %mul3A_20 = arith.mulf %mul3A_19, %get3A_18 : vector<256x1024xf32>
    %jit3A_21 = arith.constant 0.000000e+00 : f32
    %broadcast_in_dim3A_22 = vector.shape_cast %gt3A_15 : vector<256x1xi1> to vector<256x1xi1>
    %broadcast_in_dim3A_23 = vector.broadcast %broadcast_in_dim3A_22 : vector<256x1xi1> to vector<256x1024xi1>
    %broadcast_in_dim3A_24 = vector.broadcast %jit3A_21 : f32 to vector<256x1024xf32>
    %select_n3A_25 = arith.select %broadcast_in_dim3A_23, %mul3A_20, %broadcast_in_dim3A_24 : vector<256x1024xi1>, vector<256x1024xf32>
    %add3A = arith.addf %select_n3A, %select_n3A_25 : vector<256x1024xf32>
    %get3A_26 = arith.constant 0 : index
    %get3A_27 = arith.constant 0 : index
    %get3A_28 = vector.load %arg1[%get3A_26, %get3A_27] : memref<256x1024xf32, #tpu.memory_space<vmem>>, vector<256x1024xf32>
    %mul3A_29 = arith.constant 2.200000e-01 : f32
    %mul3A_30 = vector.broadcast %mul3A_29 : f32 to vector<256x1024xf32>
    %mul3A_31 = arith.mulf %add3A, %mul3A_30 : vector<256x1024xf32>
    %add3A_32 = arith.addf %get3A_28, %mul3A_31 : vector<256x1024xf32>
    %swap3A = arith.constant 0 : index
    %swap3A_33 = arith.constant 0 : index
    %swap3A_34 = vector.load %arg6[%swap3A, %swap3A_33] : memref<256x1024xf32, #tpu.memory_space<vmem>>, vector<256x1024xf32>
    tpu.vector_store %arg6[%swap3A, %swap3A_33], %add3A_32 {strides = array<i32>} : memref<256x1024xf32, #tpu.memory_space<vmem>>, vector<256x1024xf32>,
    return
  }
  func.func @transform_0(%arg0: i32) -> (i32, i32) {
    %c0_i32 = arith.constant 0 : i32
    %c0_i32_0 = arith.constant 0 : i32
    return %arg0, %c0_i32 : i32, i32
  }
  func.func @transform_1(%arg0: i32) -> (i32, i32) {
    %c0_i32 = arith.constant 0 : i32
    %c0_i32_0 = arith.constant 0 : i32
    return %arg0, %c0_i32 : i32, i32
  }
  func.func @transform_2(%arg0: i32) -> (i32, i32) {
    %c0_i32 = arith.constant 0 : i32
    %c0_i32_0 = arith.constant 0 : i32
    return %arg0, %c0_i32 : i32, i32
  }
  func.func @transform_3(%arg0: i32) -> (i32, i32) {
    %c0_i32 = arith.constant 0 : i32
    %c0_i32_0 = arith.constant 0 : i32
    return %arg0, %c0_i32 : i32, i32
  }
  func.func @transform_4(%arg0: i32) -> (i32, i32) {
    %c0_i32 = arith.constant 0 : i32
    %c0_i32_0 = arith.constant 0 : i32
    return %arg0, %c0_i32 : i32, i32
  }
  func.func @transform_5(%arg0: i32) -> (i32, i32) {
    %c0_i32 = arith.constant 0 : i32
    %c0_i32_0 = arith.constant 0 : i32
    return %arg0, %c0_i32 : i32, i32
  }
}

</mosaic_0001>

<sc_bundles>
// kernel: kernel.13.cloned.1.call-start
scs
__scs_entry_jumppad:
0x0: {  	(pc) =	sbr.rel $0x88, $3  }
0x1: {  	(tag) =	ssettag $0x0;
	lr =	simm.s32 $0x1  }
0x2: {  	[smem:$0x3F95] =	sst lr;
	_ =	strace $0xD0000000  }
0x3: {  	_ = 	snop  }
0x4: {  	_ = 	snop  }
0x5: {  	_ = 	snop  }
0x6: {  	_ = 	snop  }
0x7: {  	_ = 	snop  }
__scs_overlays_trampoline_lowered:
0x8: {  	[smem:$0x3FA4] =	sst s0  }
0x9: {  	[smem:$0x3FA5] =	sst s1  }
0xa: {  	[smem:$0x3FA6] =	sst s2  }
0xb: {  	[smem:$0x3FA7] =	sst s3  }
0xc: {  	[smem:$0x3FA8] =	sst s4  }
0xd: {  	[smem:$0x3FA9] =	sst s5  }
0xe: {  	[smem:$0x3FAA] =	sst s6  }
0xf: {  	[smem:$0x3FAB] =	sst s7  }
0x10: {  	[smem:$0x3FAC] =	sst s8  }
0x11: {  	[smem:$0x3FAD] =	sst s9;
	s0 =	simm.s32 @!p0 $0x0  }
0x12: {  	s1 =	sld [smem:$0x3F93];
	s0 =	simm.s32 @p0 $0x1  }
0x13: {  	[smem:$0x3FAE] =	sst s0;
	s0 =	simm.s32 @!p1 $0x0  }
0x14: {  	s2 =	sld [smem:$0x3F92];
	s0 =	simm.s32 @p1 $0x1  }
0x15: {  	[smem:$0x3FAF] =	sst s0;
	s0 =	simm.s32 @!p2 $0x0  }
0x16: {  	s3 =	sld [smem:$0x3FDB];
	s0 =	simm.s32 @p2 $0x1  }
0x17: {  	s4 =	simm.s32 $0x1BF5;
	[smem:$0x3FB1] =	sst s0  }
0x18: {  	s0 =	sld [smem:$0x3F94];
	_ =	swait.ge [sflag:s4], $0x0  }
0x19: {  	s7 =	sld [smem:$0x3F95]  }
0x1a: {  	s8 =	sadd.s32 $0xFFFFE003, lr  }
0x1b: {  	s9 =	sadd.s32 $0xFFFFFEF7, lr;
	s5 =	simm.s32 $0xFFFFFFFF;
	p2 =	slt.u32 s8, $0xFFFFF086  }
0x1c: {  	p1 =	slt.u32 s9, $0xF7A;
	s5 =	simm.s32 @!p2 $0x0  }
0x1d: {  	s5 =	simm.s32 @p1 $0x1;
	p0 =	seq.s32 s7, s2  }
0x1e: {  	s7 =	smul.u32 @!p0 $0xF7A, s2;
	p2 =	seq.s32 @!p0 s5, $0x0  }
0x1f: {  	s9 =	smul.u32 $0xF7A, s1;
	s8 =	simm.s32 @!p0 $0x1BF5;
	p2 =	por !p2, p0  }
0x20: {  	[sflag:s8] =	ssyncset.s32 @!p0 $0xFFFFF086;
	s6 =	sadd.s32 @!p0 s3, s7;
	s7 =	simm.s32 @!p0 $0x108  }
0x21: {  	s3 =	sadd.s32 s3, s9;
	s6 =	sadd.s32 @!p0 $0x88, s6;
	s7 =	simm.s32 @p2 $0x1082  }
0x22: {  	[simem:s7], [sflag:s8] =	dma.local @!p0 [hbm:s6], $0xF7A  }
0x23: {  	s9 =	sor.u32 $0xD0000000, s2;
	s6 =	simm.s32 $0x108;
	_ =	swait.ge @!p0 [sflag:s8], $0x0  }
0x24: {  	s3 =	sadd.s32 $0x88, s3;
	s6 =	simm.s32 @!p1 $0x1082;
	[sflag:s4] =	ssyncset.s32 $0xFFFFF086  }
0x25: {  	[simem:s6], [sflag:s4] =	dma.local [hbm:s3], $0xF7A  }
0x26: {  	[smem:$0x3F95] =	sst s1;
	(tag) =	ssettag s2;
	_ =	strace s9  }
0x27: {  	s1 =	sld [smem:$0x3FA5]  }
0x28: {  	s2 =	sld [smem:$0x3FA6]  }
0x29: {  	s4 =	sld [smem:$0x3FA8]  }
0x2a: {  	p0 =	seq.s32 s5, $0x0;
	s5 =	sld [smem:$0x3FA9]  }
0x2b: {  	s6 =	sld [smem:$0x3FAA]  }
0x2c: {  	s7 =	sld [smem:$0x3FAB]  }
0x2d: {  	s3 =	simm.s32 $0x108;
	s8 =	sld [smem:$0x3FAC]  }
0x2e: {  	s3 =	simm.s32 @!p0 $0x1082;
	s9 =	sld [smem:$0x3FAD]  }
0x2f: {  	lr =	sadd.s32 s0, s3;
	s0 =	sld [smem:$0x3FA4]  }
0x30: {  	s3 =	sld [smem:$0x3FA7]  }
0x31: {  	[smem:$0x3FB0] =	sst s10  }
0x32: {  	s10 =	sld [smem:$0x3FAE];
	_ =	sdelay $0x3  }
0x33: {  	p0 =	seq.s32 s10, $0x1;
	s10 =	sld [smem:$0x3FB0];
	_ =	sdelay $0x3  }
0x34: {  	[smem:$0x3FB0] =	sst s10  }
0x35: {  	s10 =	sld [smem:$0x3FAF];
	_ =	sdelay $0x3  }
0x36: {  	p1 =	seq.s32 s10, $0x1;
	s10 =	sld [smem:$0x3FB0];
	_ =	sdelay $0x3  }
0x37: {  	[smem:$0x3FB0] =	sst s10  }
0x38: {  	s10 =	sld [smem:$0x3FB1]  }
0x39: {  	_ = 	snop;
	(pc) =	sbr.ind lr, $3  }
0x3a: {  	_ = 	snop  }
0x3b: {  	_ = 	snop  }
0x3c: {  	p2 =	seq.s32 s10, $0x1;
	s10 =	sld [smem:$0x3FB0]  }
0x3d: {  	_ =	shalt  }
0x3e: {  	_ =	shalt  }
0x3f: {  	_ =	shalt  }
0x40: {  	_ =	shalt  }
0x41: {  	_ =	shalt  }
0x42: {  	_ =	shalt  }
0x43: {  	_ =	shalt  }
0x44: {  	_ =	shalt  }
0x45: {  	_ =	shalt  }
0x46: {  	_ =	shalt  }
0x47: {  	_ =	shalt  }
0x48: {  	_ =	shalt  }
0x49: {  	_ =	shalt  }
0x4a: {  	_ =	shalt  }
0x4b: {  	_ =	shalt  }
0x4c: {  	_ =	shalt  }
0x4d: {  	_ =	shalt  }
0x4e: {  	_ =	shalt  }
0x4f: {  	_ =	shalt  }
0x50: {  	_ =	shalt  }
0x51: {  	_ =	shalt  }
0x52: {  	_ =	shalt  }
0x53: {  	_ =	shalt  }
0x54: {  	_ =	shalt  }
0x55: {  	_ =	shalt  }
0x56: {  	_ =	shalt  }
0x57: {  	_ =	shalt  }
0x58: {  	_ =	shalt  }
0x59: {  	_ =	shalt  }
0x5a: {  	_ =	shalt  }
0x5b: {  	_ =	shalt  }
0x5c: {  	_ =	shalt  }
0x5d: {  	_ =	shalt  }
0x5e: {  	_ =	shalt  }
0x5f: {  	_ =	shalt  }
0x60: {  	_ =	shalt  }
0x61: {  	_ =	shalt  }
0x62: {  	_ =	shalt  }
0x63: {  	_ =	shalt  }
0x64: {  	_ =	shalt  }
0x65: {  	_ =	shalt  }
0x66: {  	_ =	shalt  }
0x67: {  	_ =	shalt  }
0x68: {  	_ =	shalt  }
0x69: {  	_ =	shalt  }
0x6a: {  	_ =	shalt  }
0x6b: {  	_ =	shalt  }
0x6c: {  	_ =	shalt  }
0x6d: {  	_ =	shalt  }
0x6e: {  	_ =	shalt  }
0x6f: {  	_ =	shalt  }
0x70: {  	_ =	shalt  }
0x71: {  	_ =	shalt  }
0x72: {  	_ =	shalt  }
0x73: {  	_ =	shalt  }
0x74: {  	_ =	shalt  }
0x75: {  	_ =	shalt  }
0x76: {  	_ =	shalt  }
0x77: {  	_ =	shalt  }
0x78: {  	_ =	shalt  }
0x79: {  	_ =	shalt  }
0x7a: {  	_ =	shalt  }
0x7b: {  	_ =	shalt  }
0x7c: {  	_ =	shalt  }
0x7d: {  	_ =	shalt  }
0x7e: {  	_ =	shalt  }
0x7f: {  	_ =	shalt  }
0x80: {  	_ =	shalt  }
0x81: {  	_ =	shalt  }
0x82: {  	_ =	shalt  }
0x83: {  	_ =	shalt  }
0x84: {  	_ =	shalt  }
0x85: {  	_ =	shalt  }
0x86: {  	_ =	shalt  }
0x87: {  	_ =	shalt  }
.Lfunc_end0:
.L_simem_size_0:
called_computation_lowered:
.L_overlay_start_0:
0x88: {  	s2 =	sld [smem:$0x3FD9]  }
0x89: {  	s3 =	sld [smem:$0x3FFE];
	_ =	sdelay $0x1  }
0x8a: {  	s1 =	srdreg.scid  }
0x8b: {  	s0 =	sand.u32 $0x1, s1  }
0x8c: {  	s17 =	sshll.u32 s0, $0xA;
	s2 =	sadd.s32 s3, s2  }
0x8d: {  	s2 =	sadd.s32 s2, s17  }
0x8e: {  	[smem:$0x3FBC] =	sst s2  }
0x8f: {  	_ = 	snop  }
0x90: {  	s2 =	sld [smem:$0x3FD0];
	(tm) =	ssettm $0x1  }
0x91: {  	s18 =	sld [smem:$0x3FFB];
	_ =	sdelay $0x3  }
0x92: {  	_ =	strace s18  }
0x93: {  	s3 =	sld [smem:$0x3FFC];
	_ =	sdelay $0x3  }
0x94: {  	_ =	strace s3  }
0x95: {  	s3 =	sld [smem:$0x3FFD];
	_ =	sdelay $0x3  }
0x96: {  	_ =	strace s3  }
0x97: {  	_ =	strace $0x8FFFFFFF  }
0x98: {  	s19 =	sld [smem:$0x3FDB];
	_ =	sdelay $0x1  }
0x99: {  	s4 =	simm.s32 $_scs_section_size  }
0x9a: {  	s5 =	simm.s32 $_size__tile_overlayer_lowered;
	s6 =	simm.s32 $_tile_overlayer_lowered  }
0x9b: {  	s22 =	simm.s32 $0x1BFF;
	s21 =	sshll.u32 s6, $0x1;
	s3 =	sadd.s32 s4, s19  }
0x9c: {  	s7 =	simm.s32 $0x0;
	s20 =	sshll.u32 s5, $0x1;
	s5 =	sadd.s32 s21, s3  }
0x9d: {  	[timem:s7], [sflag:s22] =	dma.local [hbm:s5], s20  }
0x9e: {  	_ =	swait.ge [sflag:s22], s20  }
0x9f: {  	s4 =	ssub.s32 $0x0, s20;
	[sflag:s22] =	ssyncset.done $0x0  }
0xa0: {  	[sflag:s22] =	ssyncadd.s32 s4;
	_ =	sdelay $0x1  }
0xa1: {  	s23 =	simm.s32 $0x1B8B  }
0xa2: {  	_ =	swait.ge [sflag:s23], $0x1  }
0xa3: {  	[sflag:s23] =	ssyncset.done $0x0  }
0xa4: {  	s25 =	simm.s32 $0x1B8E;
	s24 =	sld [smem:$0x3FFE];
	[sflag:s23] =	ssyncadd.s32 $0xFFFFFFFF  }
0xa5: {  	s26 =	simm.s32 $execute0_lowered;
	[smem:$0x3FD2] =	sst s25  }
0xa6: {  	s5 =	sshll.u32 s26, $0x1;
	_ =	strace $0x80000046;
	[dreg:$0x1] =	wrdreg $0xFFFFFFFF  }
0xa7: {  	s28 =	simm.s32 $_size_execute0_lowered;
	s3 =	sadd.s32 s3, s5;
	[dreg:$0x0] =	wrdreg $0x0  }
0xa8: {  	s5 =	sshll.u32 s28, $0x1;
	[dreg:$0x2] =	wrdreg s3  }
0xa9: {  	[dreg:$0x3] =	wrdreg s5  }
0xaa: {  	[dreg:$0x4] =	wrdreg $0xC0  }
0xab: {  	_ =	task [dreg:s7], $0x5FFFF  }
0xac: {  	[dreg:$0x1] =	wrdreg $0xFFFFFFFF  }
0xad: {  	[dreg:$0x0] =	wrdreg $0x60  }
0xae: {  	[dreg:$0x2] =	wrdreg s2  }
0xaf: {  	[dreg:$0x3] =	wrdreg s24  }
0xb0: {  	[dreg:$0x4] =	wrdreg $0x9  }
0xb1: {  	_ =	task.clear_ibuf [dreg:s7], $0x5FFFF;
	_ =	strace $0x90000046  }
0xb2: {  	s29 =	simm.s32 $0x9;
	_ =	strace $0x80000048  }
0xb3: {  	_ =	swait.ge [sflag:s29], $0x1  }
0xb4: {  	[sflag:s29] =	ssyncadd.s32 $0xFFFFFFFF  }
0xb5: {  	_ =	strace $0x90000048  }
0xb6: {  	_ =	sfence  }
0xb7: {  	s30 =	sld [smem:$0x0];
	_ =	sdelay $0x2  }
0xb8: {  	s31 =	sshll.u32 s1, $0xD;
	s1 =	sshrl.u32 s1, $0x2  }
0xb9: {  	s3 =	sand.u32 $0x4000, s31;
	s1 =	sadd.s32 s1, s30  }
0xba: {  	s0 =	sor.u32 s3, s0;
	s1 =	sshll.u32 s1, $0x11  }
0xbb: {  	s0 =	sor.u32 s1, s0  }
0xbc: {  	s0 =	sadd.s32 $0x8F2B, s0  }
0xbd: {  	[sflag:s0] =	ssyncadd.remote.s32 $0x1  }
0xbe: {  	_ =	sfence.sel $0xFFFF  }
0xbf: {  	[dreg:$0x0] =	wrdreg $0xFFFFFFFF;
	(pc) =	sbr.abs _section_cstart, $3  }
0xc0: {  	[dreg:$0x1] =	wrdreg $0xFFFFFFFF  }
0xc1: {  	_ =	task.clear_ibuf [dreg:s7], $0x2FFFF;
	_ =	strace $0x9FFFFFFF  }
0xc2: {  	(tm) =	ssettm $0x7FFFFFFF  }
0xc3: {  	_ =	shalt  }
tec
execute0_lowered:
.L_overlay_start_1:
0x0: {  	(tag) =	ssettag $0x1  }
0x1: {  	s0 =	rddreg [dreg:$0x0]  }
0x2: {  	s1 =	rddreg [dreg:$0x1];
	s3 =	srdreg.scid  }
0x3: {  	s2 =	simm.s32 $0x0;
	s6 =	stileid.u32;
	s9 =	simm.s32 $0x2  }
0x4: {  	s18 =	simm.s32 $0x1;
	s20 =	simm.s32 $0x880;
	s21 =	simm.s32 $0x1080  }
0x5: {  	s28 =	simm.s32 $0x4080;
	s29 =	simm.s32 $0x4880;
	s30 =	simm.s32 $0x5080  }
0x6: {  	s31 =	simm.s32 $0x5880;
	s10 =	simm.s32 $0x7080;
	s11 =	simm.s32 $0x7880  }
0x7: {  	s12 =	simm.s32 $0x8080;
	s13 =	simm.s32 $0x8880;
	s14 =	simm.s32 $0x9080  }
0x8: {  	s15 =	simm.s32 $0x9880;
	s16 =	simm.s32 $0xA080;
	s17 =	simm.s32 $0xA880  }
0x9: {  	s4 =	sand.u32 $0x1, s3;
	[smem:$0x7FF] =	sst s2;
	s5 =	sshll.u32 s6, $0x6  }
0xa: {  	s22 =	sshll.u32 s6, $0xE;
	s6 =	sadd.s32 $0x43900, s1;
	s3 =	sshll.u32 s4, $0x3  }
0xb: {  	s23 =	sshll.u32 s4, $0xD;
	_ =	strace $0x80000047;
	s4 =	ssub.s32 $0x2, s4  }
0xc: {  	s3 =	sor.u32 s3, s5;
	s5 =	sor.u32 s23, s22;
	s24 =	sshrl.u32 s4, $0x1  }
0xd: {  	s22 =	simm.s32 $0x1880;
	s23 =	simm.s32 $0x2080;
	s7 =	sadd.s32 s3, s1  }
0xe: {  	s3 =	sadd.s32 $0x43600, s1;
	s0 =	sadd.s32 s0, s5;
	s8 =	ssub.s32 s4, s24  }
0xf: {  	s4 =	sadd.s32 $0x43700, s1;
	s5 =	sadd.s32 $0x43800, s1;
	s24 =	simm.s32 $0x2880  }
0x10: {  	v2 =	vlaneseq.u32;
	[dreg:$0x3] =	wrdreg s0;
	s25 =	sadd.s32 $0x43000, s7;
	s26 =	sadd.s32 $0x43010, s7  }
0x11: {  	vm0 =	vmmov $0xffff;
	v1 =	vshrl.u32 v2, $0x3;
	s7 =	smax.u32 s8, $0x1;
	s8 =	simm.s32 $0xB080;
	[dreg:$0x4] =	wrdreg s25  }
0x12: {  	v0 =	vand.u32 $0x7, v2;
	v2 =	vor.u32 $0x8, v2;
	v1 =	vmul.u32 $0x8, v1;
	[dreg:$0x5] =	wrdreg s26;
	s25 =	simm.s32 $0x3080;
	s26 =	simm.s32 $0x3880  }
.LBB2_1:
0x13: {  	s19 =	rddreg [dreg:$0x3];
	s0 =	simm.s32 $0x80  }
0x14: {  	[tilespmem:s0], [sflag:$0x2] =	stream.linear.gather [hbm4b:s19+s2], $0x10000, $0x38;
	[tilespmem:$0x10080] =	vst v63  }
0x15: {  	_ =	swait.ge [sflag:s9], $0x10000  }
0x16: {  	[sflag:s9] =	ssyncset.done $0x0  }
0x17: {  	s1 =	rddreg [dreg:$0x4];
	[sflag:s9] =	ssyncadd.s32 $0xFFFF0000  }
0x18: {  	[tilespmem:s2], [sflag:$0x2] =	stream.linear.gather [hbm4b:s1+s2], $0x40, $0x38;
	[tilespmem:$0x10080] =	vst v63  }
0x19: {  	_ =	swait.ge [sflag:s9], $0x40  }
0x1a: {  	[sflag:s9] =	ssyncset.done $0x0  }
0x1b: {  	[sflag:s9] =	ssyncadd.s32 $0xFFFFFFC0  }
0x1c: {  	v3 =	vld [tilespmem:$0x0];
	_ =	sdelay $0x4  }
0x1d: {  	v4 =	vshll.u32 v3, $0x3  }
0x1e: {  	v3 =	vand.u32 $0x7, v3;
	v4 =	vand.u32 $0xFFFFFFC0, v4  }
0x1f: {  	v3 =	vor.u32 v3, v4  }
0x20: {  	v4 =	vperm.xlane v3, v0;
	_ =	sdelay $0x1  }
0x21: {  	v4 =	vadd.s32 v1, v4;
	_ =	sdelay $0x4  }
0x22: {  	[hbm4b:s3+s2] =	stream.indirect_vreg.scatter [tilespmem:s0], [sflag:$0x1], $0x80, v4, vm0, $0xb8;
	[tilespmem:$0x10080] =	vst v63  }
0x23: {  	v3 =	vperm.xlane v3, v2  }
0x24: {  	[hbm4b:s4+s2] =	stream.indirect_vreg.scatter [tilespmem:s20], [sflag:$0x1], $0x80, v4, vm0, $0xb8;
	[tilespmem:$0x10080] =	vst v63  }
0x25: {  	v3 =	vadd.s32 v1, v3  }
0x26: {  	[hbm4b:s5+s2] =	stream.indirect_vreg.scatter [tilespmem:s21], [sflag:$0x1], $0x80, v4, vm0, $0xb8;
	[tilespmem:$0x10080] =	vst v63  }
0x27: {  	_ = 	snop  }
0x28: {  	[hbm4b:s6+s2] =	stream.indirect_vreg.scatter [tilespmem:s22], [sflag:$0x1], $0x80, v4, vm0, $0xb8;
	[tilespmem:$0x10080] =	vst v63  }
0x29: {  	_ = 	snop  }
0x2a: {  	[hbm4b:s3+s2] =	stream.indirect_vreg.scatter [tilespmem:s23], [sflag:$0x1], $0x80, v3, vm0, $0xb8;
	[tilespmem:$0x10080] =	vst v63  }
0x2b: {  	_ = 	snop  }
0x2c: {  	[hbm4b:s4+s2] =	stream.indirect_vreg.scatter [tilespmem:s24], [sflag:$0x1], $0x80, v3, vm0, $0xb8;
	[tilespmem:$0x10080] =	vst v63  }
0x2d: {  	_ = 	snop  }
0x2e: {  	[hbm4b:s5+s2] =	stream.indirect_vreg.scatter [tilespmem:s25], [sflag:$0x1], $0x80, v3, vm0, $0xb8;
	[tilespmem:$0x10080] =	vst v63  }
0x2f: {  	_ = 	snop  }
0x30: {  	[hbm4b:s6+s2] =	stream.indirect_vreg.scatter [tilespmem:s26], [sflag:$0x1], $0x80, v3, vm0, $0xb8;
	[tilespmem:$0x10080] =	vst v63  }
0x31: {  	v3 =	vld [tilespmem:$0x10];
	_ =	sdelay $0x4  }
0x32: {  	v57 =	vshll.u32 v3, $0x3  }
0x33: {  	v3 =	vand.u32 $0x7, v3;
	v4 =	vand.u32 $0xFFFFFFC0, v57  }
0x34: {  	v3 =	vor.u32 v3, v4  }
0x35: {  	v4 =	vperm.xlane v3, v0;
	_ =	sdelay $0x1  }
0x36: {  	v4 =	vadd.s32 v1, v4;
	_ =	sdelay $0x4  }
0x37: {  	[hbm4b:s3+s2] =	stream.indirect_vreg.scatter [tilespmem:s28], [sflag:$0x1], $0x80, v4, vm0, $0xb8;
	[tilespmem:$0x10080] =	vst v63  }
0x38: {  	v3 =	vperm.xlane v3, v2  }
0x39: {  	[hbm4b:s4+s2] =	stream.indirect_vreg.scatter [tilespmem:s29], [sflag:$0x1], $0x80, v4, vm0, $0xb8;
	[tilespmem:$0x10080] =	vst v63  }
0x3a: {  	v3 =	vadd.s32 v1, v3  }
0x3b: {  	[hbm4b:s5+s2] =	stream.indirect_vreg.scatter [tilespmem:s30], [sflag:$0x1], $0x80, v4, vm0, $0xb8;
	[tilespmem:$0x10080] =	vst v63  }
0x3c: {  	_ = 	snop  }
0x3d: {  	[hbm4b:s6+s2] =	stream.indirect_vreg.scatter [tilespmem:s31], [sflag:$0x1], $0x80, v4, vm0, $0xb8;
	[tilespmem:$0x10080] =	vst v63  }
0x3e: {  	s1 =	simm.s32 $0x6080  }
0x3f: {  	[hbm4b:s3+s2] =	stream.indirect_vreg.scatter [tilespmem:s1], [sflag:$0x1], $0x80, v3, vm0, $0xb8;
	[tilespmem:$0x10080] =	vst v63  }
0x40: {  	s1 =	simm.s32 $0x6880  }
0x41: {  	[hbm4b:s4+s2] =	stream.indirect_vreg.scatter [tilespmem:s1], [sflag:$0x1], $0x80, v3, vm0, $0xb8;
	[tilespmem:$0x10080] =	vst v63  }
0x42: {  	_ = 	snop  }
0x43: {  	[hbm4b:s5+s2] =	stream.indirect_vreg.scatter [tilespmem:s10], [sflag:$0x1], $0x80, v3, vm0, $0xb8;
	[tilespmem:$0x10080] =	vst v63  }
0x44: {  	_ = 	snop  }
0x45: {  	[hbm4b:s6+s2] =	stream.indirect_vreg.scatter [tilespmem:s11], [sflag:$0x1], $0x80, v3, vm0, $0xb8;
	[tilespmem:$0x10080] =	vst v63  }
0x46: {  	v3 =	vld [tilespmem:$0x20];
	_ =	sdelay $0x4  }
0x47: {  	v58 =	vshll.u32 v3, $0x3  }
0x48: {  	v3 =	vand.u32 $0x7, v3;
	v4 =	vand.u32 $0xFFFFFFC0, v58  }
0x49: {  	v3 =	vor.u32 v3, v4  }
0x4a: {  	v4 =	vperm.xlane v3, v0;
	_ =	sdelay $0x1  }
0x4b: {  	v4 =	vadd.s32 v1, v4;
	_ =	sdelay $0x4  }
0x4c: {  	[hbm4b:s3+s2] =	stream.indirect_vreg.scatter [tilespmem:s12], [sflag:$0x1], $0x80, v4, vm0, $0xb8;
	[tilespmem:$0x10080] =	vst v63  }
0x4d: {  	v3 =	vperm.xlane v3, v2  }
0x4e: {  	[hbm4b:s4+s2] =	stream.indirect_vreg.scatter [tilespmem:s13], [sflag:$0x1], $0x80, v4, vm0, $0xb8;
	[tilespmem:$0x10080] =	vst v63  }
0x4f: {  	v3 =	vadd.s32 v1, v3  }
0x50: {  	[hbm4b:s5+s2] =	stream.indirect_vreg.scatter [tilespmem:s14], [sflag:$0x1], $0x80, v4, vm0, $0xb8;
	[tilespmem:$0x10080] =	vst v63  }
0x51: {  	_ = 	snop  }
0x52: {  	[hbm4b:s6+s2] =	stream.indirect_vreg.scatter [tilespmem:s15], [sflag:$0x1], $0x80, v4, vm0, $0xb8;
	[tilespmem:$0x10080] =	vst v63  }
0x53: {  	_ = 	snop  }
0x54: {  	[hbm4b:s3+s2] =	stream.indirect_vreg.scatter [tilespmem:s16], [sflag:$0x1], $0x80, v3, vm0, $0xb8;
	[tilespmem:$0x10080] =	vst v63  }
0x55: {  	_ = 	snop  }
0x56: {  	[hbm4b:s4+s2] =	stream.indirect_vreg.scatter [tilespmem:s17], [sflag:$0x1], $0x80, v3, vm0, $0xb8;
	[tilespmem:$0x10080] =	vst v63  }
0x57: {  	_ = 	snop  }
0x58: {  	[hbm4b:s5+s2] =	stream.indirect_vreg.scatter [tilespmem:s8], [sflag:$0x1], $0x80, v3, vm0, $0xb8;
	[tilespmem:$0x10080] =	vst v63  }
0x59: {  	s19 =	simm.s32 $0xB880  }
0x5a: {  	[hbm4b:s6+s2] =	stream.indirect_vreg.scatter [tilespmem:s19], [sflag:$0x1], $0x80, v3, vm0, $0xb8;
	[tilespmem:$0x10080] =	vst v63  }
0x5b: {  	v3 =	vld [tilespmem:$0x30];
	_ =	sdelay $0x4  }
0x5c: {  	v59 =	vshll.u32 v3, $0x3  }
0x5d: {  	v3 =	vand.u32 $0x7, v3;
	v4 =	vand.u32 $0xFFFFFFC0, v59  }
0x5e: {  	v3 =	vor.u32 v3, v4  }
0x5f: {  	v4 =	vperm.xlane v3, v0;
	_ =	sdelay $0x1  }
0x60: {  	v4 =	vadd.s32 v1, v4;
	_ =	sdelay $0x3  }
0x61: {  	s19 =	simm.s32 $0xC080  }
0x62: {  	[hbm4b:s3+s2] =	stream.indirect_vreg.scatter [tilespmem:s19], [sflag:$0x1], $0x80, v4, vm0, $0xb8;
	[tilespmem:$0x10080] =	vst v63  }
0x63: {  	v3 =	vperm.xlane v3, v2;
	s19 =	simm.s32 $0xC880  }
0x64: {  	[hbm4b:s4+s2] =	stream.indirect_vreg.scatter [tilespmem:s19], [sflag:$0x1], $0x80, v4, vm0, $0xb8;
	[tilespmem:$0x10080] =	vst v63  }
0x65: {  	v3 =	vadd.s32 v1, v3;
	s19 =	simm.s32 $0xD080  }
0x66: {  	[hbm4b:s5+s2] =	stream.indirect_vreg.scatter [tilespmem:s19], [sflag:$0x1], $0x80, v4, vm0, $0xb8;
	[tilespmem:$0x10080] =	vst v63  }
0x67: {  	s19 =	simm.s32 $0xD880  }
0x68: {  	[hbm4b:s6+s2] =	stream.indirect_vreg.scatter [tilespmem:s19], [sflag:$0x1], $0x80, v4, vm0, $0xb8;
	[tilespmem:$0x10080] =	vst v63  }
0x69: {  	s19 =	simm.s32 $0xE080  }
0x6a: {  	[hbm4b:s3+s2] =	stream.indirect_vreg.scatter [tilespmem:s19], [sflag:$0x1], $0x80, v3, vm0, $0xb8;
	[tilespmem:$0x10080] =	vst v63  }
0x6b: {  	s19 =	simm.s32 $0xE880  }
0x6c: {  	[hbm4b:s4+s2] =	stream.indirect_vreg.scatter [tilespmem:s19], [sflag:$0x1], $0x80, v3, vm0, $0xb8;
	[tilespmem:$0x10080] =	vst v63  }
0x6d: {  	s19 =	simm.s32 $0xF080  }
0x6e: {  	[hbm4b:s5+s2] =	stream.indirect_vreg.scatter [tilespmem:s19], [sflag:$0x1], $0x80, v3, vm0, $0xb8;
	[tilespmem:$0x10080] =	vst v63  }
0x6f: {  	s19 =	simm.s32 $0xF880  }
0x70: {  	[hbm4b:s6+s2] =	stream.indirect_vreg.scatter [tilespmem:s19], [sflag:$0x1], $0x80, v3, vm0, $0xb8;
	[tilespmem:$0x10080] =	vst v63  }
0x71: {  	_ =	swait.ge [sflag:s18], $0x10000  }
0x72: {  	[sflag:s18] =	ssyncset.done $0x0  }
0x73: {  	s19 =	rddreg [dreg:$0x5];
	[sflag:s18] =	ssyncadd.s32 $0xFFFF0000  }
0x74: {  	[tilespmem:s2], [sflag:$0x2] =	stream.linear.gather [hbm4b:s19+s2], $0x40, $0x38;
	[tilespmem:$0x10080] =	vst v63  }
0x75: {  	_ =	swait.ge [sflag:s9], $0x40  }
0x76: {  	[sflag:s9] =	ssyncset.done $0x0  }
0x77: {  	[sflag:s9] =	ssyncadd.s32 $0xFFFFFFC0  }
0x78: {  	v3 =	vld [tilespmem:$0x0];
	_ =	sdelay $0x4  }
0x79: {  	v60 =	vshll.u32 v3, $0x3  }
0x7a: {  	v3 =	vand.u32 $0x7, v3;
	v4 =	vand.u32 $0xFFFFFFC0, v60  }
0x7b: {  	v3 =	vor.u32 v3, v4  }
0x7c: {  	v4 =	vperm.xlane v3, v0;
	_ =	sdelay $0x1  }
0x7d: {  	v4 =	vadd.s32 v1, v4;
	_ =	sdelay $0x4  }
0x7e: {  	[hbm4b:s3+s2] =	stream.indirect_vreg.scatter [tilespmem:s0], [sflag:$0x1], $0x80, v4, vm0, $0xb8;
	[tilespmem:$0x10080] =	vst v63  }
0x7f: {  	v3 =	vperm.xlane v3, v2  }
0x80: {  	[hbm4b:s4+s2] =	stream.indirect_vreg.scatter [tilespmem:s20], [sflag:$0x1], $0x80, v4, vm0, $0xb8;
	[tilespmem:$0x10080] =	vst v63  }
0x81: {  	v3 =	vadd.s32 v1, v3  }
0x82: {  	[hbm4b:s5+s2] =	stream.indirect_vreg.scatter [tilespmem:s21], [sflag:$0x1], $0x80, v4, vm0, $0xb8;
	[tilespmem:$0x10080] =	vst v63  }
0x83: {  	_ = 	snop  }
0x84: {  	[hbm4b:s6+s2] =	stream.indirect_vreg.scatter [tilespmem:s22], [sflag:$0x1], $0x80, v4, vm0, $0xb8;
	[tilespmem:$0x10080] =	vst v63  }
0x85: {  	_ = 	snop  }
0x86: {  	[hbm4b:s3+s2] =	stream.indirect_vreg.scatter [tilespmem:s23], [sflag:$0x1], $0x80, v3, vm0, $0xb8;
	[tilespmem:$0x10080] =	vst v63  }
0x87: {  	_ = 	snop  }
0x88: {  	[hbm4b:s4+s2] =	stream.indirect_vreg.scatter [tilespmem:s24], [sflag:$0x1], $0x80, v3, vm0, $0xb8;
	[tilespmem:$0x10080] =	vst v63  }
0x89: {  	_ = 	snop  }
0x8a: {  	[hbm4b:s5+s2] =	stream.indirect_vreg.scatter [tilespmem:s25], [sflag:$0x1], $0x80, v3, vm0, $0xb8;
	[tilespmem:$0x10080] =	vst v63  }
0x8b: {  	_ = 	snop  }
0x8c: {  	[hbm4b:s6+s2] =	stream.indirect_vreg.scatter [tilespmem:s26], [sflag:$0x1], $0x80, v3, vm0, $0xb8;
	[tilespmem:$0x10080] =	vst v63  }
0x8d: {  	v3 =	vld [tilespmem:$0x10];
	_ =	sdelay $0x4  }
0x8e: {  	v61 =	vshll.u32 v3, $0x3  }
0x8f: {  	v3 =	vand.u32 $0x7, v3;
	v4 =	vand.u32 $0xFFFFFFC0, v61  }
0x90: {  	v3 =	vor.u32 v3, v4  }
0x91: {  	v4 =	vperm.xlane v3, v0;
	_ =	sdelay $0x1  }
0x92: {  	v4 =	vadd.s32 v1, v4;
	_ =	sdelay $0x4  }
0x93: {  	[hbm4b:s3+s2] =	stream.indirect_vreg.scatter [tilespmem:s28], [sflag:$0x1], $0x80, v4, vm0, $0xb8;
	[tilespmem:$0x10080] =	vst v63  }
0x94: {  	v3 =	vperm.xlane v3, v2  }
0x95: {  	[hbm4b:s4+s2] =	stream.indirect_vreg.scatter [tilespmem:s29], [sflag:$0x1], $0x80, v4, vm0, $0xb8;
	[tilespmem:$0x10080] =	vst v63  }
0x96: {  	v3 =	vadd.s32 v1, v3  }
0x97: {  	[hbm4b:s5+s2] =	stream.indirect_vreg.scatter [tilespmem:s30], [sflag:$0x1], $0x80, v4, vm0, $0xb8;
	[tilespmem:$0x10080] =	vst v63  }
0x98: {  	_ = 	snop  }
0x99: {  	[hbm4b:s6+s2] =	stream.indirect_vreg.scatter [tilespmem:s31], [sflag:$0x1], $0x80, v4, vm0, $0xb8;
	[tilespmem:$0x10080] =	vst v63  }
0x9a: {  	s19 =	simm.s32 $0x6080  }
0x9b: {  	[hbm4b:s3+s2] =	stream.indirect_vreg.scatter [tilespmem:s19], [sflag:$0x1], $0x80, v3, vm0, $0xb8;
	[tilespmem:$0x10080] =	vst v63  }
0x9c: {  	_ = 	snop  }
0x9d: {  	[hbm4b:s4+s2] =	stream.indirect_vreg.scatter [tilespmem:s1], [sflag:$0x1], $0x80, v3, vm0, $0xb8;
	[tilespmem:$0x10080] =	vst v63  }
0x9e: {  	_ = 	snop  }
0x9f: {  	[hbm4b:s5+s2] =	stream.indirect_vreg.scatter [tilespmem:s10], [sflag:$0x1], $0x80, v3, vm0, $0xb8;
	[tilespmem:$0x10080] =	vst v63  }
0xa0: {  	_ = 	snop  }
0xa1: {  	[hbm4b:s6+s2] =	stream.indirect_vreg.scatter [tilespmem:s11], [sflag:$0x1], $0x80, v3, vm0, $0xb8;
	[tilespmem:$0x10080] =	vst v63  }
0xa2: {  	v3 =	vld [tilespmem:$0x20];
	_ =	sdelay $0x4  }
0xa3: {  	v62 =	vshll.u32 v3, $0x3  }
0xa4: {  	v3 =	vand.u32 $0x7, v3;
	v4 =	vand.u32 $0xFFFFFFC0, v62  }
0xa5: {  	v3 =	vor.u32 v3, v4  }
0xa6: {  	v4 =	vperm.xlane v3, v0;
	_ =	sdelay $0x1  }
0xa7: {  	v4 =	vadd.s32 v1, v4;
	_ =	sdelay $0x4  }
0xa8: {  	[hbm4b:s3+s2] =	stream.indirect_vreg.scatter [tilespmem:s12], [sflag:$0x1], $0x80, v4, vm0, $0xb8;
	[tilespmem:$0x10080] =	vst v63  }
0xa9: {  	v3 =	vperm.xlane v3, v2  }
0xaa: {  	[hbm4b:s4+s2] =	stream.indirect_vreg.scatter [tilespmem:s13], [sflag:$0x1], $0x80, v4, vm0, $0xb8;
	[tilespmem:$0x10080] =	vst v63  }
0xab: {  	v3 =	vadd.s32 v1, v3  }
0xac: {  	[hbm4b:s5+s2] =	stream.indirect_vreg.scatter [tilespmem:s14], [sflag:$0x1], $0x80, v4, vm0, $0xb8;
	[tilespmem:$0x10080] =	vst v63  }
0xad: {  	_ = 	snop  }
0xae: {  	[hbm4b:s6+s2] =	stream.indirect_vreg.scatter [tilespmem:s15], [sflag:$0x1], $0x80, v4, vm0, $0xb8;
	[tilespmem:$0x10080] =	vst v63  }
0xaf: {  	_ = 	snop  }
0xb0: {  	[hbm4b:s3+s2] =	stream.indirect_vreg.scatter [tilespmem:s16], [sflag:$0x1], $0x80, v3, vm0, $0xb8;
	[tilespmem:$0x10080] =	vst v63  }
0xb1: {  	_ = 	snop  }
0xb2: {  	[hbm4b:s4+s2] =	stream.indirect_vreg.scatter [tilespmem:s17], [sflag:$0x1], $0x80, v3, vm0, $0xb8;
	[tilespmem:$0x10080] =	vst v63  }
0xb3: {  	_ = 	snop  }
0xb4: {  	[hbm4b:s5+s2] =	stream.indirect_vreg.scatter [tilespmem:s8], [sflag:$0x1], $0x80, v3, vm0, $0xb8;
	[tilespmem:$0x10080] =	vst v63  }
0xb5: {  	s19 =	simm.s32 $0xB880  }
0xb6: {  	[hbm4b:s6+s2] =	stream.indirect_vreg.scatter [tilespmem:s19], [sflag:$0x1], $0x80, v3, vm0, $0xb8;
	[tilespmem:$0x10080] =	vst v63  }
0xb7: {  	v3 =	vld [tilespmem:$0x30];
	_ =	sdelay $0x4  }
0xb8: {  	v63 =	vshll.u32 v3, $0x3  }
0xb9: {  	v3 =	vand.u32 $0x7, v3;
	v4 =	vand.u32 $0xFFFFFFC0, v63  }
0xba: {  	v3 =	vor.u32 v3, v4  }
0xbb: {  	v4 =	vperm.xlane v3, v0;
	_ =	sdelay $0x1  }
0xbc: {  	v4 =	vadd.s32 v1, v4;
	_ =	sdelay $0x3  }
0xbd: {  	s1 =	simm.s32 $0xC080  }
0xbe: {  	[hbm4b:s3+s2] =	stream.indirect_vreg.scatter [tilespmem:s1], [sflag:$0x1], $0x80, v4, vm0, $0xb8;
	[tilespmem:$0x10080] =	vst v63  }
0xbf: {  	s19 =	simm.s32 $0xC880;
	v3 =	vperm.xlane v3, v2  }
0xc0: {  	[hbm4b:s4+s2] =	stream.indirect_vreg.scatter [tilespmem:s19], [sflag:$0x1], $0x80, v4, vm0, $0xb8;
	[tilespmem:$0x10080] =	vst v63  }
0xc1: {  	v3 =	vadd.s32 v1, v3;
	s1 =	simm.s32 $0xD080  }
0xc2: {  	[hbm4b:s5+s2] =	stream.indirect_vreg.scatter [tilespmem:s1], [sflag:$0x1], $0x80, v4, vm0, $0xb8;
	[tilespmem:$0x10080] =	vst v63  }
0xc3: {  	s19 =	simm.s32 $0xD880  }
0xc4: {  	[hbm4b:s6+s2] =	stream.indirect_vreg.scatter [tilespmem:s19], [sflag:$0x1], $0x80, v4, vm0, $0xb8;
	[tilespmem:$0x10080] =	vst v63  }
0xc5: {  	s1 =	simm.s32 $0xE080  }
0xc6: {  	[hbm4b:s3+s2] =	stream.indirect_vreg.scatter [tilespmem:s1], [sflag:$0x1], $0x80, v3, vm0, $0xb8;
	[tilespmem:$0x10080] =	vst v63  }
0xc7: {  	s19 =	simm.s32 $0xE880  }
0xc8: {  	[hbm4b:s4+s2] =	stream.indirect_vreg.scatter [tilespmem:s19], [sflag:$0x1], $0x80, v3, vm0, $0xb8;
	[tilespmem:$0x10080] =	vst v63  }
0xc9: {  	p0 =	sne.s32 s7, $0x1;
	s1 =	simm.s32 $0xF080  }
0xca: {  	[hbm4b:s5+s2] =	stream.indirect_vreg.scatter [tilespmem:s1], [sflag:$0x1], $0x80, v3, vm0, $0xb8;
	[tilespmem:$0x10080] =	vst v63  }
.Ltmp0:
0xcb: {  	s19 =	simm.s32 $0xF880;
	(pc) =	sbr.rel @p0 .LBB2_1-.Ltmp0, $4  }
0xcc: {  	[hbm4b:s6+s2] =	stream.indirect_vreg.scatter [tilespmem:s19], [sflag:$0x1], $0x80, v3, vm0, $0xb8;
	[tilespmem:$0x10080] =	vst v63  }
0xcd: {  	_ =	swait.ge [sflag:s18], $0x10000  }
0xce: {  	[sflag:s18] =	ssyncset.done $0x0  }
0xcf: {  	s7 =	sadd.s32 $0xFFFFFFFF, s7;
	[sflag:s18] =	ssyncadd.s32 $0xFFFF0000  }
0xd0: {  	_ =	sfence.sel $0x180000  }
0xd1: {  	[bflag:$0x0] =	sbarrier.arrive $0xFFFF  }
0xd2: {  	_ =	strace $0x90000047  }
0xd3: {  	s0 =	stileid.u32;
	[bflag:$0x2] =	sbarrier.arrive $0xFFFF  }
0xd4: {  	p0 =	sne.s32 s0, $0x0;
	s0 =	rddreg [dreg:$0x2]  }
0xd5: {  	s0 =	sadd.s32 @!p0 $0x100000, s0  }
0xd6: {  	[sflag:s0] =	ssyncadd.tile.s32 @!p0 $0x1;
	_ =	shalt  }
.Lfunc_end2:
_tile_overlayer_lowered:
.L_overlay_start_2:
0xd7: {  	(tag) =	ssettag $0x2  }
0xd8: {  	s0 =	rddreg [dreg:$0x0];
	s2 =	stileid.u32  }
0xd9: {  	s1 =	rddreg [dreg:$0x1];
	p0 =	sne.s32 s2, $0x0  }
0xda: {  	s3 =	rddreg [dreg:$0x2];
	[bflag:$0x3] =	sbarrier.arrive $0xFFFF;
	s2 =	simm.s32 @!p0 $0x1C02  }
0xdb: {  	[timem:s3], [sflag:s2] =	dma.local @!p0 [hbm:s0], s1  }
0xdc: {  	s0 =	simm.s32 @!p0 $0x2  }
0xdd: {  	_ =	swait.ge @!p0 [sflag:s0], s1  }
0xde: {  	s1 =	ssub.s32 @!p0 $0x0, s1;
	[sflag:s0] =	ssyncset.done @!p0 $0x0  }
0xdf: {  	[sflag:s0] =	ssyncadd.s32 @!p0 s1  }
0xe0: {  	[bflag:$0x3] =	sbarrier.arrive $0xFFFF  }
0xe1: {  	_ =	shalt  }

// kernel: kernel.16.cloned.1.call-start
scs
__scs_entry_jumppad:
0x0: {  	(pc) =	sbr.rel $0x88, $3  }
0x1: {  	(tag) =	ssettag $0x0;
	lr =	simm.s32 $0x1  }
0x2: {  	[smem:$0x3F95] =	sst lr;
	_ =	strace $0xD0000000  }
0x3: {  	_ = 	snop  }
0x4: {  	_ = 	snop  }
0x5: {  	_ = 	snop  }
0x6: {  	_ = 	snop  }
0x7: {  	_ = 	snop  }
__scs_overlays_trampoline_lowered:
0x8: {  	[smem:$0x3FA4] =	sst s0  }
0x9: {  	[smem:$0x3FA5] =	sst s1  }
0xa: {  	[smem:$0x3FA6] =	sst s2  }
0xb: {  	[smem:$0x3FA7] =	sst s3  }
0xc: {  	[smem:$0x3FA8] =	sst s4  }
0xd: {  	[smem:$0x3FA9] =	sst s5  }
0xe: {  	[smem:$0x3FAA] =	sst s6  }
0xf: {  	[smem:$0x3FAB] =	sst s7  }
0x10: {  	[smem:$0x3FAC] =	sst s8  }
0x11: {  	[smem:$0x3FAD] =	sst s9;
	s0 =	simm.s32 @!p0 $0x0  }
0x12: {  	s1 =	sld [smem:$0x3F93];
	s0 =	simm.s32 @p0 $0x1  }
0x13: {  	[smem:$0x3FAE] =	sst s0;
	s0 =	simm.s32 @!p1 $0x0  }
0x14: {  	s2 =	sld [smem:$0x3F92];
	s0 =	simm.s32 @p1 $0x1  }
0x15: {  	[smem:$0x3FAF] =	sst s0;
	s0 =	simm.s32 @!p2 $0x0  }
0x16: {  	s3 =	sld [smem:$0x3FDB];
	s0 =	simm.s32 @p2 $0x1  }
0x17: {  	s4 =	simm.s32 $0x1BF5;
	[smem:$0x3FB1] =	sst s0  }
0x18: {  	s0 =	sld [smem:$0x3F94];
	_ =	swait.ge [sflag:s4], $0x0  }
0x19: {  	s7 =	sld [smem:$0x3F95]  }
0x1a: {  	s8 =	sadd.s32 $0xFFFFE003, lr  }
0x1b: {  	s9 =	sadd.s32 $0xFFFFFEF7, lr;
	s5 =	simm.s32 $0xFFFFFFFF;
	p2 =	slt.u32 s8, $0xFFFFF086  }
0x1c: {  	p1 =	slt.u32 s9, $0xF7A;
	s5 =	simm.s32 @!p2 $0x0  }
0x1d: {  	s5 =	simm.s32 @p1 $0x1;
	p0 =	seq.s32 s7, s2  }
0x1e: {  	s7 =	smul.u32 @!p0 $0xF7A, s2;
	p2 =	seq.s32 @!p0 s5, $0x0  }
0x1f: {  	s9 =	smul.u32 $0xF7A, s1;
	s8 =	simm.s32 @!p0 $0x1BF5;
	p2 =	por !p2, p0  }
0x20: {  	[sflag:s8] =	ssyncset.s32 @!p0 $0xFFFFF086;
	s6 =	sadd.s32 @!p0 s3, s7;
	s7 =	simm.s32 @!p0 $0x108  }
0x21: {  	s3 =	sadd.s32 s3, s9;
	s6 =	sadd.s32 @!p0 $0x88, s6;
	s7 =	simm.s32 @p2 $0x1082  }
0x22: {  	[simem:s7], [sflag:s8] =	dma.local @!p0 [hbm:s6], $0xF7A  }
0x23: {  	s9 =	sor.u32 $0xD0000000, s2;
	s6 =	simm.s32 $0x108;
	_ =	swait.ge @!p0 [sflag:s8], $0x0  }
0x24: {  	s3 =	sadd.s32 $0x88, s3;
	s6 =	simm.s32 @!p1 $0x1082;
	[sflag:s4] =	ssyncset.s32 $0xFFFFF086  }
0x25: {  	[simem:s6], [sflag:s4] =	dma.local [hbm:s3], $0xF7A  }
0x26: {  	[smem:$0x3F95] =	sst s1;
	(tag) =	ssettag s2;
	_ =	strace s9  }
0x27: {  	s1 =	sld [smem:$0x3FA5]  }
0x28: {  	s2 =	sld [smem:$0x3FA6]  }
0x29: {  	s4 =	sld [smem:$0x3FA8]  }
0x2a: {  	p0 =	seq.s32 s5, $0x0;
	s5 =	sld [smem:$0x3FA9]  }
0x2b: {  	s6 =	sld [smem:$0x3FAA]  }
0x2c: {  	s7 =	sld [smem:$0x3FAB]  }
0x2d: {  	s3 =	simm.s32 $0x108;
	s8 =	sld [smem:$0x3FAC]  }
0x2e: {  	s3 =	simm.s32 @!p0 $0x1082;
	s9 =	sld [smem:$0x3FAD]  }
0x2f: {  	lr =	sadd.s32 s0, s3;
	s0 =	sld [smem:$0x3FA4]  }
0x30: {  	s3 =	sld [smem:$0x3FA7]  }
0x31: {  	[smem:$0x3FB0] =	sst s10  }
0x32: {  	s10 =	sld [smem:$0x3FAE];
	_ =	sdelay $0x3  }
0x33: {  	p0 =	seq.s32 s10, $0x1;
	s10 =	sld [smem:$0x3FB0];
	_ =	sdelay $0x3  }
0x34: {  	[smem:$0x3FB0] =	sst s10  }
0x35: {  	s10 =	sld [smem:$0x3FAF];
	_ =	sdelay $0x3  }
0x36: {  	p1 =	seq.s32 s10, $0x1;
	s10 =	sld [smem:$0x3FB0];
	_ =	sdelay $0x3  }
0x37: {  	[smem:$0x3FB0] =	sst s10  }
0x38: {  	s10 =	sld [smem:$0x3FB1]  }
0x39: {  	_ = 	snop;
	(pc) =	sbr.ind lr, $3  }
0x3a: {  	_ = 	snop  }
0x3b: {  	_ = 	snop  }
0x3c: {  	p2 =	seq.s32 s10, $0x1;
	s10 =	sld [smem:$0x3FB0]  }
0x3d: {  	_ =	shalt  }
0x3e: {  	_ =	shalt  }
0x3f: {  	_ =	shalt  }
0x40: {  	_ =	shalt  }
0x41: {  	_ =	shalt  }
0x42: {  	_ =	shalt  }
0x43: {  	_ =	shalt  }
0x44: {  	_ =	shalt  }
0x45: {  	_ =	shalt  }
0x46: {  	_ =	shalt  }
0x47: {  	_ =	shalt  }
0x48: {  	_ =	shalt  }
0x49: {  	_ =	shalt  }
0x4a: {  	_ =	shalt  }
0x4b: {  	_ =	shalt  }
0x4c: {  	_ =	shalt  }
0x4d: {  	_ =	shalt  }
0x4e: {  	_ =	shalt  }
0x4f: {  	_ =	shalt  }
0x50: {  	_ =	shalt  }
0x51: {  	_ =	shalt  }
0x52: {  	_ =	shalt  }
0x53: {  	_ =	shalt  }
0x54: {  	_ =	shalt  }
0x55: {  	_ =	shalt  }
0x56: {  	_ =	shalt  }
0x57: {  	_ =	shalt  }
0x58: {  	_ =	shalt  }
0x59: {  	_ =	shalt  }
0x5a: {  	_ =	shalt  }
0x5b: {  	_ =	shalt  }
0x5c: {  	_ =	shalt  }
0x5d: {  	_ =	shalt  }
0x5e: {  	_ =	shalt  }
0x5f: {  	_ =	shalt  }
0x60: {  	_ =	shalt  }
0x61: {  	_ =	shalt  }
0x62: {  	_ =	shalt  }
0x63: {  	_ =	shalt  }
0x64: {  	_ =	shalt  }
0x65: {  	_ =	shalt  }
0x66: {  	_ =	shalt  }
0x67: {  	_ =	shalt  }
0x68: {  	_ =	shalt  }
0x69: {  	_ =	shalt  }
0x6a: {  	_ =	shalt  }
0x6b: {  	_ =	shalt  }
0x6c: {  	_ =	shalt  }
0x6d: {  	_ =	shalt  }
0x6e: {  	_ =	shalt  }
0x6f: {  	_ =	shalt  }
0x70: {  	_ =	shalt  }
0x71: {  	_ =	shalt  }
0x72: {  	_ =	shalt  }
0x73: {  	_ =	shalt  }
0x74: {  	_ =	shalt  }
0x75: {  	_ =	shalt  }
0x76: {  	_ =	shalt  }
0x77: {  	_ =	shalt  }
0x78: {  	_ =	shalt  }
0x79: {  	_ =	shalt  }
0x7a: {  	_ =	shalt  }
0x7b: {  	_ =	shalt  }
0x7c: {  	_ =	shalt  }
0x7d: {  	_ =	shalt  }
0x7e: {  	_ =	shalt  }
0x7f: {  	_ =	shalt  }
0x80: {  	_ =	shalt  }
0x81: {  	_ =	shalt  }
0x82: {  	_ =	shalt  }
0x83: {  	_ =	shalt  }
0x84: {  	_ =	shalt  }
0x85: {  	_ =	shalt  }
0x86: {  	_ =	shalt  }
0x87: {  	_ =	shalt  }
.Lfunc_end0:
.L_simem_size_0:
called_computation.1_lowered:
.L_overlay_start_0:
0x88: {  	s2 =	sld [smem:$0x3FD9]  }
0x89: {  	s3 =	sld [smem:$0x3FFE];
	_ =	sdelay $0x1  }
0x8a: {  	s1 =	srdreg.scid  }
0x8b: {  	s0 =	sand.u32 $0x1, s1  }
0x8c: {  	s17 =	sshll.u32 s0, $0xA;
	s2 =	sadd.s32 s3, s2  }
0x8d: {  	s2 =	sadd.s32 s2, s17  }
0x8e: {  	[smem:$0x3FBC] =	sst s2  }
0x8f: {  	_ = 	snop  }
0x90: {  	s2 =	sld [smem:$0x3FD0];
	(tm) =	ssettm $0x1  }
0x91: {  	s18 =	sld [smem:$0x3FFB];
	_ =	sdelay $0x3  }
0x92: {  	_ =	strace s18  }
0x93: {  	s3 =	sld [smem:$0x3FFC];
	_ =	sdelay $0x3  }
0x94: {  	_ =	strace s3  }
0x95: {  	s3 =	sld [smem:$0x3FFD];
	_ =	sdelay $0x3  }
0x96: {  	_ =	strace s3  }
0x97: {  	_ =	strace $0x8FFFFFFF  }
0x98: {  	s19 =	sld [smem:$0x3FDB];
	_ =	sdelay $0x1  }
0x99: {  	s4 =	simm.s32 $_scs_section_size  }
0x9a: {  	s5 =	simm.s32 $_size__tile_overlayer_lowered;
	s6 =	simm.s32 $_tile_overlayer_lowered  }
0x9b: {  	s22 =	simm.s32 $0x1BFF;
	s21 =	sshll.u32 s6, $0x1;
	s3 =	sadd.s32 s4, s19  }
0x9c: {  	s7 =	simm.s32 $0x0;
	s20 =	sshll.u32 s5, $0x1;
	s5 =	sadd.s32 s21, s3  }
0x9d: {  	[timem:s7], [sflag:s22] =	dma.local [hbm:s5], s20  }
0x9e: {  	_ =	swait.ge [sflag:s22], s20  }
0x9f: {  	s4 =	ssub.s32 $0x0, s20;
	[sflag:s22] =	ssyncset.done $0x0  }
0xa0: {  	[sflag:s22] =	ssyncadd.s32 s4;
	_ =	sdelay $0x1  }
0xa1: {  	s23 =	simm.s32 $0x1B8B  }
0xa2: {  	_ =	swait.ge [sflag:s23], $0x1  }
0xa3: {  	[sflag:s23] =	ssyncset.done $0x0  }
0xa4: {  	s25 =	simm.s32 $0x1B8E;
	s24 =	sld [smem:$0x3FFE];
	[sflag:s23] =	ssyncadd.s32 $0xFFFFFFFF  }
0xa5: {  	s26 =	simm.s32 $execute0_lowered;
	[smem:$0x3FD2] =	sst s25  }
0xa6: {  	s5 =	sshll.u32 s26, $0x1;
	_ =	strace $0x80000049;
	[dreg:$0x1] =	wrdreg $0xFFFFFFFF  }
0xa7: {  	s28 =	simm.s32 $_size_execute0_lowered;
	s3 =	sadd.s32 s3, s5;
	[dreg:$0x0] =	wrdreg $0x0  }
0xa8: {  	s5 =	sshll.u32 s28, $0x1;
	[dreg:$0x2] =	wrdreg s3  }
0xa9: {  	[dreg:$0x3] =	wrdreg s5  }
0xaa: {  	[dreg:$0x4] =	wrdreg $0xC0  }
0xab: {  	_ =	task [dreg:s7], $0x5FFFF  }
0xac: {  	[dreg:$0x1] =	wrdreg $0xFFFFFFFF  }
0xad: {  	[dreg:$0x0] =	wrdreg $0x60  }
0xae: {  	[dreg:$0x2] =	wrdreg s24  }
0xaf: {  	[dreg:$0x3] =	wrdreg s2  }
0xb0: {  	[dreg:$0x4] =	wrdreg $0x9  }
0xb1: {  	_ =	task.clear_ibuf [dreg:s7], $0x5FFFF;
	_ =	strace $0x90000049  }
0xb2: {  	s29 =	simm.s32 $0x9;
	_ =	strace $0x8000004B  }
0xb3: {  	_ =	swait.ge [sflag:s29], $0x1  }
0xb4: {  	[sflag:s29] =	ssyncadd.s32 $0xFFFFFFFF  }
0xb5: {  	_ =	strace $0x9000004B  }
0xb6: {  	_ =	sfence  }
0xb7: {  	s30 =	sld [smem:$0x0];
	_ =	sdelay $0x2  }
0xb8: {  	s31 =	sshll.u32 s1, $0xD;
	s1 =	sshrl.u32 s1, $0x2  }
0xb9: {  	s3 =	sand.u32 $0x4000, s31;
	s1 =	sadd.s32 s1, s30  }
0xba: {  	s0 =	sor.u32 s3, s0;
	s1 =	sshll.u32 s1, $0x11  }
0xbb: {  	s0 =	sor.u32 s1, s0  }
0xbc: {  	s0 =	sadd.s32 $0x8F2B, s0  }
0xbd: {  	[sflag:s0] =	ssyncadd.remote.s32 $0x1  }
0xbe: {  	_ =	sfence.sel $0xFFFF  }
0xbf: {  	[dreg:$0x0] =	wrdreg $0xFFFFFFFF;
	(pc) =	sbr.abs _section_cstart, $3  }
0xc0: {  	[dreg:$0x1] =	wrdreg $0xFFFFFFFF  }
0xc1: {  	_ =	task.clear_ibuf [dreg:s7], $0x2FFFF;
	_ =	strace $0x9FFFFFFF  }
0xc2: {  	(tm) =	ssettm $0x7FFFFFFF  }
0xc3: {  	_ =	shalt  }
tec
execute0_lowered:
.L_overlay_start_1:
0x0: {  	(tag) =	ssettag $0x1  }
0x1: {  	s0 =	srdreg.scid  }
0x2: {  	s2 =	stileid.u32;
	s1 =	rddreg [dreg:$0x0]  }
0x3: {  	s5 =	rddreg [dreg:$0x1];
	s18 =	simm.s32 $0x1;
	s20 =	simm.s32 $0x880  }
0x4: {  	s21 =	simm.s32 $0x1080;
	s22 =	simm.s32 $0x1880;
	s23 =	simm.s32 $0x2080  }
0x5: {  	s28 =	simm.s32 $0x4080;
	s29 =	simm.s32 $0x4880;
	s30 =	simm.s32 $0x5080  }
0x6: {  	s31 =	simm.s32 $0x5880;
	s11 =	simm.s32 $0x7880;
	s12 =	simm.s32 $0x8080  }
0x7: {  	s13 =	simm.s32 $0x8880;
	s14 =	simm.s32 $0x9080;
	s15 =	simm.s32 $0x9880  }
0x8: {  	s16 =	simm.s32 $0xA080;
	s17 =	simm.s32 $0xA880;
	s0 =	sand.u32 $0x1, s0  }
0x9: {  	s2 =	sshll.u32 s2, $0x7;
	s7 =	sadd.s32 $0x43000, s1;
	s3 =	sshll.u32 s0, $0x6  }
0xa: {  	s0 =	ssub.s32 $0x2, s0;
	s4 =	sor.u32 s3, s2;
	s2 =	simm.s32 $0x0  }
0xb: {  	s24 =	sshrl.u32 s0, $0x1;
	s6 =	sshll.u32 s4, $0x2;
	[smem:$0x7FF] =	sst s2  }
0xc: {  	s9 =	sshll.u32 s4, $0x7;
	s0 =	ssub.s32 s0, s24;
	s4 =	sadd.s32 $0x147700, s1  }
0xd: {  	s24 =	simm.s32 $0x2880;
	s6 =	sor.u32 s3, s6;
	_ =	strace $0x8000004A  }
0xe: {  	s3 =	sadd.s32 $0x147600, s1;
	s10 =	sadd.s32 s9, s1;
	s25 =	sadd.s32 s5, s9  }
0xf: {  	s5 =	sadd.s32 $0x147800, s1;
	s6 =	sshrl.u32 s6, $0x3;
	[dreg:$0x4] =	wrdreg s25  }
0x10: {  	s26 =	sadd.s32 $0x43600, s10;
	s25 =	simm.s32 $0x3080;
	s8 =	sor.u32 $0x20, s6  }
0x11: {  	s6 =	sor.u32 $0x30, s6;
	[dreg:$0x6] =	wrdreg s26;
	s8 =	sadd.s32 s7, s8  }
0x12: {  	v2 =	vlaneseq.u32;
	s10 =	simm.s32 $0x7080;
	s7 =	sadd.s32 s7, s6;
	[dreg:$0x3] =	wrdreg s8  }
0x13: {  	vm0 =	vmmov $0xffff;
	v1 =	vshrl.u32 v2, $0x3;
	s26 =	simm.s32 $0x3880;
	s6 =	sadd.s32 $0x147900, s1;
	[dreg:$0x5] =	wrdreg s7  }
0x14: {  	v0 =	vand.u32 $0x7, v2;
	v2 =	vor.u32 $0x8, v2;
	v1 =	vmul.u32 $0x8, v1;
	s7 =	smax.u32 s0, $0x1;
	s8 =	simm.s32 $0x2;
	s0 =	simm.s32 $0x80  }
.LBB2_1:
0x15: {  	s19 =	rddreg [dreg:$0x3]  }
0x16: {  	[tilespmem:s2], [sflag:$0x2] =	stream.linear.gather [hbm4b:s19+s2], $0x40, $0x38;
	[tilespmem:$0x10080] =	vst v63  }
0x17: {  	_ =	swait.ge [sflag:s8], $0x40  }
0x18: {  	[sflag:s8] =	ssyncset.done $0x0  }
0x19: {  	[sflag:s8] =	ssyncadd.s32 $0xFFFFFFC0  }
0x1a: {  	v3 =	vld [tilespmem:$0x0];
	_ =	sdelay $0x4  }
0x1b: {  	v4 =	vshll.u32 v3, $0x3  }
0x1c: {  	v3 =	vand.u32 $0x7, v3;
	v4 =	vand.u32 $0xFFFFFFC0, v4  }
0x1d: {  	v3 =	vor.u32 v3, v4  }
0x1e: {  	v4 =	vperm.xlane v3, v0;
	_ =	sdelay $0x1  }
0x1f: {  	v4 =	vadd.s32 v1, v4;
	_ =	sdelay $0x4  }
0x20: {  	[tilespmem:s0], [sflag:$0x1] =	stream.indirect_vreg.gather [hbm4b:s3+s2], $0x80, v4, vm0, $0xb8;
	[tilespmem:$0x10080] =	vst v63  }
0x21: {  	v3 =	vperm.xlane v3, v2  }
0x22: {  	[tilespmem:s20], [sflag:$0x1] =	stream.indirect_vreg.gather [hbm4b:s4+s2], $0x80, v4, vm0, $0xb8;
	[tilespmem:$0x10080] =	vst v63  }
0x23: {  	v3 =	vadd.s32 v1, v3  }
0x24: {  	[tilespmem:s21], [sflag:$0x1] =	stream.indirect_vreg.gather [hbm4b:s5+s2], $0x80, v4, vm0, $0xb8;
	[tilespmem:$0x10080] =	vst v63  }
0x25: {  	_ = 	snop  }
0x26: {  	[tilespmem:s22], [sflag:$0x1] =	stream.indirect_vreg.gather [hbm4b:s6+s2], $0x80, v4, vm0, $0xb8;
	[tilespmem:$0x10080] =	vst v63  }
0x27: {  	_ = 	snop  }
0x28: {  	[tilespmem:s23], [sflag:$0x1] =	stream.indirect_vreg.gather [hbm4b:s3+s2], $0x80, v3, vm0, $0xb8;
	[tilespmem:$0x10080] =	vst v63  }
0x29: {  	_ = 	snop  }
0x2a: {  	[tilespmem:s24], [sflag:$0x1] =	stream.indirect_vreg.gather [hbm4b:s4+s2], $0x80, v3, vm0, $0xb8;
	[tilespmem:$0x10080] =	vst v63  }
0x2b: {  	_ = 	snop  }
0x2c: {  	[tilespmem:s25], [sflag:$0x1] =	stream.indirect_vreg.gather [hbm4b:s5+s2], $0x80, v3, vm0, $0xb8;
	[tilespmem:$0x10080] =	vst v63  }
0x2d: {  	_ = 	snop  }
0x2e: {  	[tilespmem:s26], [sflag:$0x1] =	stream.indirect_vreg.gather [hbm4b:s6+s2], $0x80, v3, vm0, $0xb8;
	[tilespmem:$0x10080] =	vst v63  }
0x2f: {  	v3 =	vld [tilespmem:$0x10];
	_ =	sdelay $0x4  }
0x30: {  	v57 =	vshll.u32 v3, $0x3  }
0x31: {  	v3 =	vand.u32 $0x7, v3;
	v4 =	vand.u32 $0xFFFFFFC0, v57  }
0x32: {  	v3 =	vor.u32 v3, v4  }
0x33: {  	v4 =	vperm.xlane v3, v0;
	_ =	sdelay $0x1  }
0x34: {  	v4 =	vadd.s32 v1, v4;
	_ =	sdelay $0x4  }
0x35: {  	[tilespmem:s28], [sflag:$0x1] =	stream.indirect_vreg.gather [hbm4b:s3+s2], $0x80, v4, vm0, $0xb8;
	[tilespmem:$0x10080] =	vst v63  }
0x36: {  	v3 =	vperm.xlane v3, v2  }
0x37: {  	[tilespmem:s29], [sflag:$0x1] =	stream.indirect_vreg.gather [hbm4b:s4+s2], $0x80, v4, vm0, $0xb8;
	[tilespmem:$0x10080] =	vst v63  }
0x38: {  	v3 =	vadd.s32 v1, v3  }
0x39: {  	[tilespmem:s30], [sflag:$0x1] =	stream.indirect_vreg.gather [hbm4b:s5+s2], $0x80, v4, vm0, $0xb8;
	[tilespmem:$0x10080] =	vst v63  }
0x3a: {  	_ = 	snop  }
0x3b: {  	[tilespmem:s31], [sflag:$0x1] =	stream.indirect_vreg.gather [hbm4b:s6+s2], $0x80, v4, vm0, $0xb8;
	[tilespmem:$0x10080] =	vst v63  }
0x3c: {  	s1 =	simm.s32 $0x6080  }
0x3d: {  	[tilespmem:s1], [sflag:$0x1] =	stream.indirect_vreg.gather [hbm4b:s3+s2], $0x80, v3, vm0, $0xb8;
	[tilespmem:$0x10080] =	vst v63  }
0x3e: {  	s9 =	simm.s32 $0x6880  }
0x3f: {  	[tilespmem:s9], [sflag:$0x1] =	stream.indirect_vreg.gather [hbm4b:s4+s2], $0x80, v3, vm0, $0xb8;
	[tilespmem:$0x10080] =	vst v63  }
0x40: {  	_ = 	snop  }
0x41: {  	[tilespmem:s10], [sflag:$0x1] =	stream.indirect_vreg.gather [hbm4b:s5+s2], $0x80, v3, vm0, $0xb8;
	[tilespmem:$0x10080] =	vst v63  }
0x42: {  	_ = 	snop  }
0x43: {  	[tilespmem:s11], [sflag:$0x1] =	stream.indirect_vreg.gather [hbm4b:s6+s2], $0x80, v3, vm0, $0xb8;
	[tilespmem:$0x10080] =	vst v63  }
0x44: {  	v3 =	vld [tilespmem:$0x20];
	_ =	sdelay $0x4  }
0x45: {  	v58 =	vshll.u32 v3, $0x3  }
0x46: {  	v3 =	vand.u32 $0x7, v3;
	v4 =	vand.u32 $0xFFFFFFC0, v58  }
0x47: {  	v3 =	vor.u32 v3, v4  }
0x48: {  	v4 =	vperm.xlane v3, v0;
	_ =	sdelay $0x1  }
0x49: {  	v4 =	vadd.s32 v1, v4;
	_ =	sdelay $0x4  }
0x4a: {  	[tilespmem:s12], [sflag:$0x1] =	stream.indirect_vreg.gather [hbm4b:s3+s2], $0x80, v4, vm0, $0xb8;
	[tilespmem:$0x10080] =	vst v63  }
0x4b: {  	v3 =	vperm.xlane v3, v2  }
0x4c: {  	[tilespmem:s13], [sflag:$0x1] =	stream.indirect_vreg.gather [hbm4b:s4+s2], $0x80, v4, vm0, $0xb8;
	[tilespmem:$0x10080] =	vst v63  }
0x4d: {  	v3 =	vadd.s32 v1, v3  }
0x4e: {  	[tilespmem:s14], [sflag:$0x1] =	stream.indirect_vreg.gather [hbm4b:s5+s2], $0x80, v4, vm0, $0xb8;
	[tilespmem:$0x10080] =	vst v63  }
0x4f: {  	_ = 	snop  }
0x50: {  	[tilespmem:s15], [sflag:$0x1] =	stream.indirect_vreg.gather [hbm4b:s6+s2], $0x80, v4, vm0, $0xb8;
	[tilespmem:$0x10080] =	vst v63  }
0x51: {  	_ = 	snop  }
0x52: {  	[tilespmem:s16], [sflag:$0x1] =	stream.indirect_vreg.gather [hbm4b:s3+s2], $0x80, v3, vm0, $0xb8;
	[tilespmem:$0x10080] =	vst v63  }
0x53: {  	_ = 	snop  }
0x54: {  	[tilespmem:s17], [sflag:$0x1] =	stream.indirect_vreg.gather [hbm4b:s4+s2], $0x80, v3, vm0, $0xb8;
	[tilespmem:$0x10080] =	vst v63  }
0x55: {  	s9 =	simm.s32 $0xB080  }
0x56: {  	[tilespmem:s9], [sflag:$0x1] =	stream.indirect_vreg.gather [hbm4b:s5+s2], $0x80, v3, vm0, $0xb8;
	[tilespmem:$0x10080] =	vst v63  }
0x57: {  	s19 =	simm.s32 $0xB880  }
0x58: {  	[tilespmem:s19], [sflag:$0x1] =	stream.indirect_vreg.gather [hbm4b:s6+s2], $0x80, v3, vm0, $0xb8;
	[tilespmem:$0x10080] =	vst v63  }
0x59: {  	v3 =	vld [tilespmem:$0x30];
	_ =	sdelay $0x4  }
0x5a: {  	v59 =	vshll.u32 v3, $0x3  }
0x5b: {  	v3 =	vand.u32 $0x7, v3;
	v4 =	vand.u32 $0xFFFFFFC0, v59  }
0x5c: {  	v3 =	vor.u32 v3, v4  }
0x5d: {  	v4 =	vperm.xlane v3, v0;
	_ =	sdelay $0x1  }
0x5e: {  	v4 =	vadd.s32 v1, v4;
	_ =	sdelay $0x3  }
0x5f: {  	s19 =	simm.s32 $0xC080  }
0x60: {  	[tilespmem:s19], [sflag:$0x1] =	stream.indirect_vreg.gather [hbm4b:s3+s2], $0x80, v4, vm0, $0xb8;
	[tilespmem:$0x10080] =	vst v63  }
0x61: {  	v3 =	vperm.xlane v3, v2;
	s19 =	simm.s32 $0xC880  }
0x62: {  	[tilespmem:s19], [sflag:$0x1] =	stream.indirect_vreg.gather [hbm4b:s4+s2], $0x80, v4, vm0, $0xb8;
	[tilespmem:$0x10080] =	vst v63  }
0x63: {  	v3 =	vadd.s32 v1, v3;
	s19 =	simm.s32 $0xD080  }
0x64: {  	[tilespmem:s19], [sflag:$0x1] =	stream.indirect_vreg.gather [hbm4b:s5+s2], $0x80, v4, vm0, $0xb8;
	[tilespmem:$0x10080] =	vst v63  }
0x65: {  	s19 =	simm.s32 $0xD880  }
0x66: {  	[tilespmem:s19], [sflag:$0x1] =	stream.indirect_vreg.gather [hbm4b:s6+s2], $0x80, v4, vm0, $0xb8;
	[tilespmem:$0x10080] =	vst v63  }
0x67: {  	s19 =	simm.s32 $0xE080  }
0x68: {  	[tilespmem:s19], [sflag:$0x1] =	stream.indirect_vreg.gather [hbm4b:s3+s2], $0x80, v3, vm0, $0xb8;
	[tilespmem:$0x10080] =	vst v63  }
0x69: {  	s19 =	simm.s32 $0xE880  }
0x6a: {  	[tilespmem:s19], [sflag:$0x1] =	stream.indirect_vreg.gather [hbm4b:s4+s2], $0x80, v3, vm0, $0xb8;
	[tilespmem:$0x10080] =	vst v63  }
0x6b: {  	s19 =	simm.s32 $0xF080  }
0x6c: {  	[tilespmem:s19], [sflag:$0x1] =	stream.indirect_vreg.gather [hbm4b:s5+s2], $0x80, v3, vm0, $0xb8;
	[tilespmem:$0x10080] =	vst v63  }
0x6d: {  	s19 =	simm.s32 $0xF880  }
0x6e: {  	[tilespmem:s19], [sflag:$0x1] =	stream.indirect_vreg.gather [hbm4b:s6+s2], $0x80, v3, vm0, $0xb8;
	[tilespmem:$0x10080] =	vst v63  }
0x6f: {  	_ =	swait.ge [sflag:s18], $0x10000  }
0x70: {  	[sflag:s18] =	ssyncset.done $0x0  }
0x71: {  	s19 =	rddreg [dreg:$0x4];
	[sflag:s18] =	ssyncadd.s32 $0xFFFF0000  }
0x72: {  	[hbm4b:s19+s2] =	stream.linear.scatter [tilespmem:s0], [sflag:$0x2], $0x10000, $0x38;
	[tilespmem:$0x10080] =	vst v63  }
0x73: {  	_ =	swait.ge [sflag:s8], $0x10000  }
0x74: {  	[sflag:s8] =	ssyncset.done $0x0  }
0x75: {  	s19 =	rddreg [dreg:$0x5];
	[sflag:s8] =	ssyncadd.s32 $0xFFFF0000  }
0x76: {  	[tilespmem:s2], [sflag:$0x2] =	stream.linear.gather [hbm4b:s19+s2], $0x40, $0x38;
	[tilespmem:$0x10080] =	vst v63  }
0x77: {  	_ =	swait.ge [sflag:s8], $0x40  }
0x78: {  	[sflag:s8] =	ssyncset.done $0x0  }
0x79: {  	[sflag:s8] =	ssyncadd.s32 $0xFFFFFFC0  }
0x7a: {  	v3 =	vld [tilespmem:$0x0];
	_ =	sdelay $0x4  }
0x7b: {  	v60 =	vshll.u32 v3, $0x3  }
0x7c: {  	v3 =	vand.u32 $0x7, v3;
	v4 =	vand.u32 $0xFFFFFFC0, v60  }
0x7d: {  	v3 =	vor.u32 v3, v4  }
0x7e: {  	v4 =	vperm.xlane v3, v0;
	_ =	sdelay $0x1  }
0x7f: {  	v4 =	vadd.s32 v1, v4;
	_ =	sdelay $0x4  }
0x80: {  	[tilespmem:s0], [sflag:$0x1] =	stream.indirect_vreg.gather [hbm4b:s3+s2], $0x80, v4, vm0, $0xb8;
	[tilespmem:$0x10080] =	vst v63  }
0x81: {  	v3 =	vperm.xlane v3, v2  }
0x82: {  	[tilespmem:s20], [sflag:$0x1] =	stream.indirect_vreg.gather [hbm4b:s4+s2], $0x80, v4, vm0, $0xb8;
	[tilespmem:$0x10080] =	vst v63  }
0x83: {  	v3 =	vadd.s32 v1, v3  }
0x84: {  	[tilespmem:s21], [sflag:$0x1] =	stream.indirect_vreg.gather [hbm4b:s5+s2], $0x80, v4, vm0, $0xb8;
	[tilespmem:$0x10080] =	vst v63  }
0x85: {  	_ = 	snop  }
0x86: {  	[tilespmem:s22], [sflag:$0x1] =	stream.indirect_vreg.gather [hbm4b:s6+s2], $0x80, v4, vm0, $0xb8;
	[tilespmem:$0x10080] =	vst v63  }
0x87: {  	_ = 	snop  }
0x88: {  	[tilespmem:s23], [sflag:$0x1] =	stream.indirect_vreg.gather [hbm4b:s3+s2], $0x80, v3, vm0, $0xb8;
	[tilespmem:$0x10080] =	vst v63  }
0x89: {  	_ = 	snop  }
0x8a: {  	[tilespmem:s24], [sflag:$0x1] =	stream.indirect_vreg.gather [hbm4b:s4+s2], $0x80, v3, vm0, $0xb8;
	[tilespmem:$0x10080] =	vst v63  }
0x8b: {  	_ = 	snop  }
0x8c: {  	[tilespmem:s25], [sflag:$0x1] =	stream.indirect_vreg.gather [hbm4b:s5+s2], $0x80, v3, vm0, $0xb8;
	[tilespmem:$0x10080] =	vst v63  }
0x8d: {  	_ = 	snop  }
0x8e: {  	[tilespmem:s26], [sflag:$0x1] =	stream.indirect_vreg.gather [hbm4b:s6+s2], $0x80, v3, vm0, $0xb8;
	[tilespmem:$0x10080] =	vst v63  }
0x8f: {  	v3 =	vld [tilespmem:$0x10];
	_ =	sdelay $0x4  }
0x90: {  	v61 =	vshll.u32 v3, $0x3  }
0x91: {  	v3 =	vand.u32 $0x7, v3;
	v4 =	vand.u32 $0xFFFFFFC0, v61  }
0x92: {  	v3 =	vor.u32 v3, v4  }
0x93: {  	v4 =	vperm.xlane v3, v0;
	_ =	sdelay $0x1  }
0x94: {  	v4 =	vadd.s32 v1, v4;
	_ =	sdelay $0x4  }
0x95: {  	[tilespmem:s28], [sflag:$0x1] =	stream.indirect_vreg.gather [hbm4b:s3+s2], $0x80, v4, vm0, $0xb8;
	[tilespmem:$0x10080] =	vst v63  }
0x96: {  	v3 =	vperm.xlane v3, v2  }
0x97: {  	[tilespmem:s29], [sflag:$0x1] =	stream.indirect_vreg.gather [hbm4b:s4+s2], $0x80, v4, vm0, $0xb8;
	[tilespmem:$0x10080] =	vst v63  }
0x98: {  	v3 =	vadd.s32 v1, v3  }
0x99: {  	[tilespmem:s30], [sflag:$0x1] =	stream.indirect_vreg.gather [hbm4b:s5+s2], $0x80, v4, vm0, $0xb8;
	[tilespmem:$0x10080] =	vst v63  }
0x9a: {  	_ = 	snop  }
0x9b: {  	[tilespmem:s31], [sflag:$0x1] =	stream.indirect_vreg.gather [hbm4b:s6+s2], $0x80, v4, vm0, $0xb8;
	[tilespmem:$0x10080] =	vst v63  }
0x9c: {  	_ = 	snop  }
0x9d: {  	[tilespmem:s1], [sflag:$0x1] =	stream.indirect_vreg.gather [hbm4b:s3+s2], $0x80, v3, vm0, $0xb8;
	[tilespmem:$0x10080] =	vst v63  }
0x9e: {  	s19 =	simm.s32 $0x6880  }
0x9f: {  	[tilespmem:s19], [sflag:$0x1] =	stream.indirect_vreg.gather [hbm4b:s4+s2], $0x80, v3, vm0, $0xb8;
	[tilespmem:$0x10080] =	vst v63  }
0xa0: {  	_ = 	snop  }
0xa1: {  	[tilespmem:s10], [sflag:$0x1] =	stream.indirect_vreg.gather [hbm4b:s5+s2], $0x80, v3, vm0, $0xb8;
	[tilespmem:$0x10080] =	vst v63  }
0xa2: {  	_ = 	snop  }
0xa3: {  	[tilespmem:s11], [sflag:$0x1] =	stream.indirect_vreg.gather [hbm4b:s6+s2], $0x80, v3, vm0, $0xb8;
	[tilespmem:$0x10080] =	vst v63  }
0xa4: {  	v3 =	vld [tilespmem:$0x20];
	_ =	sdelay $0x4  }
0xa5: {  	v62 =	vshll.u32 v3, $0x3  }
0xa6: {  	v3 =	vand.u32 $0x7, v3;
	v4 =	vand.u32 $0xFFFFFFC0, v62  }
0xa7: {  	v3 =	vor.u32 v3, v4  }
0xa8: {  	v4 =	vperm.xlane v3, v0;
	_ =	sdelay $0x1  }
0xa9: {  	v4 =	vadd.s32 v1, v4;
	_ =	sdelay $0x4  }
0xaa: {  	[tilespmem:s12], [sflag:$0x1] =	stream.indirect_vreg.gather [hbm4b:s3+s2], $0x80, v4, vm0, $0xb8;
	[tilespmem:$0x10080] =	vst v63  }
0xab: {  	v3 =	vperm.xlane v3, v2  }
0xac: {  	[tilespmem:s13], [sflag:$0x1] =	stream.indirect_vreg.gather [hbm4b:s4+s2], $0x80, v4, vm0, $0xb8;
	[tilespmem:$0x10080] =	vst v63  }
0xad: {  	v3 =	vadd.s32 v1, v3  }
0xae: {  	[tilespmem:s14], [sflag:$0x1] =	stream.indirect_vreg.gather [hbm4b:s5+s2], $0x80, v4, vm0, $0xb8;
	[tilespmem:$0x10080] =	vst v63  }
0xaf: {  	_ = 	snop  }
0xb0: {  	[tilespmem:s15], [sflag:$0x1] =	stream.indirect_vreg.gather [hbm4b:s6+s2], $0x80, v4, vm0, $0xb8;
	[tilespmem:$0x10080] =	vst v63  }
0xb1: {  	_ = 	snop  }
0xb2: {  	[tilespmem:s16], [sflag:$0x1] =	stream.indirect_vreg.gather [hbm4b:s3+s2], $0x80, v3, vm0, $0xb8;
	[tilespmem:$0x10080] =	vst v63  }
0xb3: {  	_ = 	snop  }
0xb4: {  	[tilespmem:s17], [sflag:$0x1] =	stream.indirect_vreg.gather [hbm4b:s4+s2], $0x80, v3, vm0, $0xb8;
	[tilespmem:$0x10080] =	vst v63  }
0xb5: {  	_ = 	snop  }
0xb6: {  	[tilespmem:s9], [sflag:$0x1] =	stream.indirect_vreg.gather [hbm4b:s5+s2], $0x80, v3, vm0, $0xb8;
	[tilespmem:$0x10080] =	vst v63  }
0xb7: {  	s19 =	simm.s32 $0xB880  }
0xb8: {  	[tilespmem:s19], [sflag:$0x1] =	stream.indirect_vreg.gather [hbm4b:s6+s2], $0x80, v3, vm0, $0xb8;
	[tilespmem:$0x10080] =	vst v63  }
0xb9: {  	v3 =	vld [tilespmem:$0x30];
	_ =	sdelay $0x4  }
0xba: {  	v63 =	vshll.u32 v3, $0x3  }
0xbb: {  	v3 =	vand.u32 $0x7, v3;
	v4 =	vand.u32 $0xFFFFFFC0, v63  }
0xbc: {  	v3 =	vor.u32 v3, v4  }
0xbd: {  	v4 =	vperm.xlane v3, v0;
	_ =	sdelay $0x1  }
0xbe: {  	v4 =	vadd.s32 v1, v4;
	_ =	sdelay $0x3  }
0xbf: {  	s9 =	simm.s32 $0xC080  }
0xc0: {  	[tilespmem:s9], [sflag:$0x1] =	stream.indirect_vreg.gather [hbm4b:s3+s2], $0x80, v4, vm0, $0xb8;
	[tilespmem:$0x10080] =	vst v63  }
0xc1: {  	s19 =	simm.s32 $0xC880;
	v3 =	vperm.xlane v3, v2  }
0xc2: {  	[tilespmem:s19], [sflag:$0x1] =	stream.indirect_vreg.gather [hbm4b:s4+s2], $0x80, v4, vm0, $0xb8;
	[tilespmem:$0x10080] =	vst v63  }
0xc3: {  	v3 =	vadd.s32 v1, v3;
	s9 =	simm.s32 $0xD080  }
0xc4: {  	[tilespmem:s9], [sflag:$0x1] =	stream.indirect_vreg.gather [hbm4b:s5+s2], $0x80, v4, vm0, $0xb8;
	[tilespmem:$0x10080] =	vst v63  }
0xc5: {  	s19 =	simm.s32 $0xD880  }
0xc6: {  	[tilespmem:s19], [sflag:$0x1] =	stream.indirect_vreg.gather [hbm4b:s6+s2], $0x80, v4, vm0, $0xb8;
	[tilespmem:$0x10080] =	vst v63  }
0xc7: {  	s9 =	simm.s32 $0xE080  }
0xc8: {  	[tilespmem:s9], [sflag:$0x1] =	stream.indirect_vreg.gather [hbm4b:s3+s2], $0x80, v3, vm0, $0xb8;
	[tilespmem:$0x10080] =	vst v63  }
0xc9: {  	s19 =	simm.s32 $0xE880  }
0xca: {  	[tilespmem:s19], [sflag:$0x1] =	stream.indirect_vreg.gather [hbm4b:s4+s2], $0x80, v3, vm0, $0xb8;
	[tilespmem:$0x10080] =	vst v63  }
0xcb: {  	s9 =	simm.s32 $0xF080  }
0xcc: {  	[tilespmem:s9], [sflag:$0x1] =	stream.indirect_vreg.gather [hbm4b:s5+s2], $0x80, v3, vm0, $0xb8;
	[tilespmem:$0x10080] =	vst v63  }
0xcd: {  	s19 =	simm.s32 $0xF880  }
0xce: {  	[tilespmem:s19], [sflag:$0x1] =	stream.indirect_vreg.gather [hbm4b:s6+s2], $0x80, v3, vm0, $0xb8;
	[tilespmem:$0x10080] =	vst v63  }
0xcf: {  	_ =	swait.ge [sflag:s18], $0x10000  }
0xd0: {  	p0 =	sne.s32 s7, $0x1;
	[sflag:s18] =	ssyncset.done $0x0  }
.Ltmp0:
0xd1: {  	s9 =	rddreg [dreg:$0x6];
	[sflag:s18] =	ssyncadd.s32 $0xFFFF0000;
	(pc) =	sbr.rel @p0 .LBB2_1-.Ltmp0, $4  }
0xd2: {  	[hbm4b:s9+s2] =	stream.linear.scatter [tilespmem:s0], [sflag:$0x2], $0x10000, $0x38;
	[tilespmem:$0x10080] =	vst v63  }
0xd3: {  	_ =	swait.ge [sflag:s8], $0x10000  }
0xd4: {  	[sflag:s8] =	ssyncset.done $0x0  }
0xd5: {  	s7 =	sadd.s32 $0xFFFFFFFF, s7;
	[sflag:s8] =	ssyncadd.s32 $0xFFFF0000  }
0xd6: {  	_ =	sfence.sel $0x180000  }
0xd7: {  	[bflag:$0x0] =	sbarrier.arrive $0xFFFF  }
0xd8: {  	_ =	strace $0x9000004A  }
0xd9: {  	s0 =	stileid.u32;
	[bflag:$0x2] =	sbarrier.arrive $0xFFFF  }
0xda: {  	p0 =	sne.s32 s0, $0x0;
	s0 =	rddreg [dreg:$0x2]  }
0xdb: {  	s0 =	sadd.s32 @!p0 $0x100000, s0  }
0xdc: {  	[sflag:s0] =	ssyncadd.tile.s32 @!p0 $0x1;
	_ =	shalt  }
.Lfunc_end2:
_tile_overlayer_lowered:
.L_overlay_start_2:
0xdd: {  	(tag) =	ssettag $0x2  }
0xde: {  	s0 =	rddreg [dreg:$0x0];
	s2 =	stileid.u32  }
0xdf: {  	s1 =	rddreg [dreg:$0x1];
	p0 =	sne.s32 s2, $0x0  }
0xe0: {  	s3 =	rddreg [dreg:$0x2];
	[bflag:$0x3] =	sbarrier.arrive $0xFFFF;
	s2 =	simm.s32 @!p0 $0x1C02  }
0xe1: {  	[timem:s3], [sflag:s2] =	dma.local @!p0 [hbm:s0], s1  }
0xe2: {  	s0 =	simm.s32 @!p0 $0x2  }
0xe3: {  	_ =	swait.ge @!p0 [sflag:s0], s1  }
0xe4: {  	s1 =	ssub.s32 @!p0 $0x0, s1;
	[sflag:s0] =	ssyncset.done @!p0 $0x0  }
0xe5: {  	[sflag:s0] =	ssyncadd.s32 @!p0 s1  }
0xe6: {  	[bflag:$0x3] =	sbarrier.arrive $0xFFFF  }
0xe7: {  	_ =	shalt  }

</sc_bundles>
